<compile_context>
chip_gen: v7x
topology: tpu7x:2x2x1
jax: 0.10.2.dev20260603
libtpu: 0.0.44.dev20260713+nightly
codegen_flags: <defaults>
</compile_context>

<pallas_src>
import functools

import jax
import jax.numpy as jnp
from jax import lax
from jax.experimental import pallas as pl
from jax.experimental.pallas import tpu as pltpu
from jax.experimental.pallas import tpu_sc as plsc

N = 10000
E = 320000
D = 128

NC = 2
NS = 16
NW = NC * NS
CHUNK = 128
CF = 120
CS = 38
FAST_CID = 0
CHM = CF
EP = NW * CHM * CHUNK
N_ACC = 10240
ZROWS = N_ACC // NS
ZITER = ZROWS // CHUNK
_SIZES = [CHUNK * (CF if (w % NC) == FAST_CID else CS) for w in range(NW)]
_EPAD = sum(_SIZES)


def _sc_neighbor_sum(g, row3, col3):
  mesh = plsc.VectorSubcoreMesh(core_axis_name="c", subcore_axis_name="s")

  @functools.partial(
      pl.kernel,
      out_type=jax.ShapeDtypeStruct((NC, N_ACC, D), jnp.float32),
      mesh=mesh,
      scratch_types=[
          pltpu.VMEM((CHM, CHUNK), jnp.int32),
          pltpu.VMEM((CHUNK,), jnp.int32),
          pltpu.VMEM((CHUNK,), jnp.int32),
          pltpu.VMEM((CHUNK, D), jnp.float32),
          pltpu.VMEM((CHUNK, D), jnp.float32),
          pltpu.VMEM_SHARED((N_ACC, D), jnp.float32),
          pltpu.SemaphoreType.DMA,
          pltpu.SemaphoreType.DMA,
          pltpu.SemaphoreType.DMA,
          pltpu.SemaphoreType.DMA,
      ],
  )
  def k(g_hbm, row_hbm, col_hbm, out_hbm, rowv, cb, cb2, buf, buf2, acc,
        sem, sem2, csem, csem2):
    cid = lax.axis_index("c")
    sid = lax.axis_index("s")
    wid = sid * NC + cid
    nch = jnp.where(cid == FAST_CID, CF, CS)

    pltpu.async_copy(row_hbm.at[wid], rowv, csem)

    @pl.loop(0, CHUNK)
    def _(r):
      for c in range(0, D, 16):
        buf[r, pl.ds(c, 16)] = jnp.zeros((16,), jnp.float32)

    @pl.loop(0, ZITER)
    def _(z):
      pltpu.sync_copy(buf, acc.at[pl.ds(sid * ZROWS + z * CHUNK, CHUNK)])

    pltpu.make_async_copy(row_hbm.at[wid], rowv, csem).wait()
    plsc.subcore_barrier()

    @pl.when(nch > 0)
    def _():
      pltpu.async_copy(g_hbm.at[rowv.at[0]], buf, sem)
      pltpu.async_copy(col_hbm.at[wid, 0], cb, csem)

    @pl.loop(0, nch, step=2)
    def _(j):
      @pl.when(j + 1 < nch)
      def _():
        pltpu.async_copy(g_hbm.at[rowv.at[j + 1]], buf2, sem2)
        pltpu.async_copy(col_hbm.at[wid, j + 1], cb2, csem2)

      pltpu.make_async_copy(g_hbm.at[rowv.at[j]], buf, sem).wait()
      pltpu.make_async_copy(col_hbm.at[wid, j], cb, csem).wait()
      pltpu.sync_copy(buf, acc.at[cb], add=True)

      @pl.when(j + 2 < nch)
      def _():
        pltpu.async_copy(g_hbm.at[rowv.at[j + 2]], buf, sem)
        pltpu.async_copy(col_hbm.at[wid, j + 2], cb, csem)

      @pl.when(j + 1 < nch)
      def _():
        pltpu.make_async_copy(g_hbm.at[rowv.at[j + 1]], buf2, sem2).wait()
        pltpu.make_async_copy(col_hbm.at[wid, j + 1], cb2, csem2).wait()
        pltpu.sync_copy(buf2, acc.at[cb2], add=True)

    plsc.subcore_barrier()

    @pl.loop(0, ZITER)
    def _(z):
      b = sid * ZROWS + z * CHUNK
      pltpu.sync_copy(acc.at[pl.ds(b, CHUNK)], out_hbm.at[cid, pl.ds(b, CHUNK)])

  return k(g, row3, col3)


_BR = 2000
_GRID = N // _BR


def _mm_body(x_ref, w_ref, o_ref):
  o_ref[...] = jnp.dot(x_ref[...], w_ref[...],
                       preferred_element_type=jnp.float32)


def _fuse_body(g_ref, p_ref, b_ref, w_ref, o_ref):
  h = g_ref[...] + p_ref[0] + p_ref[1] + b_ref[...]
  h = jnp.maximum(h, 0.0)
  o_ref[...] = jnp.dot(h, w_ref[...], preferred_element_type=jnp.float32)


def _final_body(g_ref, p_ref, b_ref, w_ref, bo_ref, o_ref):
  h = g_ref[...] + p_ref[0] + p_ref[1] + b_ref[...]
  h = jnp.maximum(h, 0.0)
  t = jnp.dot(h, w_ref[...], preferred_element_type=jnp.float32) + bo_ref[...]
  m = jnp.max(t, axis=1, keepdims=True)
  e = t - m
  o_ref[...] = e - jnp.log(jnp.sum(jnp.exp(e), axis=1, keepdims=True))


def _tc_matmul(x, w):
  return pl.pallas_call(
      _mm_body,
      grid=(_GRID,),
      in_specs=[
          pl.BlockSpec((_BR, D), lambda i: (i, 0)),
          pl.BlockSpec((D, D), lambda i: (0, 0)),
      ],
      out_specs=pl.BlockSpec((_BR, D), lambda i: (i, 0)),
      out_shape=jax.ShapeDtypeStruct((N, D), jnp.float32),
  )(x, w)


def _tc_fuse_matmul(g, p, b, w):
  return pl.pallas_call(
      _fuse_body,
      grid=(_GRID,),
      in_specs=[
          pl.BlockSpec((_BR, D), lambda i: (i, 0)),
          pl.BlockSpec((2, _BR, D), lambda i: (0, i, 0)),
          pl.BlockSpec((1, D), lambda i: (0, 0)),
          pl.BlockSpec((D, D), lambda i: (0, 0)),
      ],
      out_specs=pl.BlockSpec((_BR, D), lambda i: (i, 0)),
      out_shape=jax.ShapeDtypeStruct((N, D), jnp.float32),
  )(g, p, b, w)


def _tc_final(g, p, b, w, bo):
  return pl.pallas_call(
      _final_body,
      grid=(_GRID,),
      in_specs=[
          pl.BlockSpec((_BR, D), lambda i: (i, 0)),
          pl.BlockSpec((2, _BR, D), lambda i: (0, i, 0)),
          pl.BlockSpec((1, D), lambda i: (0, 0)),
          pl.BlockSpec((D, D), lambda i: (0, 0)),
          pl.BlockSpec((1, D), lambda i: (0, 0)),
      ],
      out_specs=pl.BlockSpec((_BR, D), lambda i: (i, 0)),
      out_shape=jax.ShapeDtypeStruct((N, D), jnp.float32),
  )(g, p, b, w, bo)


@jax.jit
def kernel(x, edge_index, W1, b1, W2, b2, Wo, bo):
  row = edge_index[0]
  col = edge_index[1]
  rowp = jnp.pad(row, (0, _EPAD - E))
  colp = jnp.pad(col, (0, _EPAD - E), constant_values=N)
  row_parts = []
  col_parts = []
  off = 0
  for w in range(NW):
    sz = _SIZES[w]
    tail = CHM * CHUNK - sz
    row_parts.append(jnp.pad(lax.slice(rowp, (off,), (off + sz,)), (0, tail)))
    col_parts.append(jnp.pad(lax.slice(colp, (off,), (off + sz,)), (0, tail),
                             constant_values=N))
    off += sz
  row3 = jnp.stack(row_parts).reshape(NW, CHM, CHUNK)
  col3 = jnp.stack(col_parts).reshape(NW, CHM, CHUNK)

  b1r = b1.reshape(1, D)
  b2r = b2.reshape(1, D)
  bor = bo.reshape(1, D)

  g1 = _tc_matmul(x, W1)
  p1 = _sc_neighbor_sum(g1, row3, col3)
  g2 = _tc_fuse_matmul(g1, p1, b1r, W2)
  p2 = _sc_neighbor_sum(g2, row3, col3)
  return _tc_final(g2, p2, b2r, Wo, bor)

# --- scband reference (transcript-rebuilt; emitter-appended) ---
"""Pipeline reference for scband-gnn-4638564680530 (READ-ONLY COPY).

The authoritative reference and input builder live on the scoring server;
editing this copy changes nothing except your own understanding.
"""

import jax, jax.numpy as jnp
import numpy as np

N = 10000
E = 320000
D_IN = 128
D_HID = 128
D_OUT = 128
TOPOLOGY_WEIGHT = 1.0


def setup_inputs(seed: int = 0) -> dict:
    key = jax.random.key(seed)
    ks = jax.random.split(key, 10)
    x = jax.random.normal(ks[0], (N, D_IN), dtype=jnp.float32)
    edge_index = jax.random.randint(ks[1], (2, E), 0, N, dtype=jnp.int32)
    # Linear layer params (stored as [in, out]; torch Linear computes x @ W.T + b,
    # equivalent to x @ W_here + b)
    W1 = jax.random.normal(ks[2], (D_IN, D_HID), dtype=jnp.float32) * (1.0 / np.sqrt(D_IN))
    b1 = jax.random.normal(ks[3], (D_HID,), dtype=jnp.float32) * 0.01
    W2 = jax.random.normal(ks[4], (D_HID, D_HID), dtype=jnp.float32) * (1.0 / np.sqrt(D_HID))
    b2 = jax.random.normal(ks[5], (D_HID,), dtype=jnp.float32) * 0.01
    Wo = jax.random.normal(ks[6], (D_HID, D_OUT), dtype=jnp.float32) * (1.0 / np.sqrt(D_HID))
    bo = jax.random.normal(ks[7], (D_OUT,), dtype=jnp.float32) * 0.01
    return {"x": x, "edge_index": edge_index, "W1": W1, "b1": b1, "W2": W2, "b2": b2, "Wo": Wo, "bo": bo}


def reference(x, edge_index, W1, b1, W2, b2, Wo, bo):
    row = edge_index[0]
    col = edge_index[1]

    def mp_layer(h, W, b):
        # neighbor_sum.index_add_(0, col, h[row])  -> scatter-add
        neighbor_sum = jnp.zeros_like(h).at[col].add(h[row])
        h = (h + TOPOLOGY_WEIGHT * neighbor_sum) @ W + b
        h = jax.nn.relu(h)
        # dropout omitted (eval mode / deterministic reference)
        return h

    h = mp_layer(x, W1, b1)
    h = mp_layer(h, W2, b2)
    out = h @ Wo + bo
    return jax.nn.log_softmax(out, axis=1)

if __name__ == "__main__":
    import jax
    _d = setup_inputs()
    print(jax.jit(kernel)(*tuple(_d.values())))

</pallas_src>

<mosaic_0001>
#map = affine_map<(d0, d1) -> (0, 0)>
#map1 = affine_map<(d0, d1) -> (0, 0, 0)>
module attributes {stable_mosaic.version = 14 : i64} {
  func.func @k(%arg0: i32, %arg1: i32, %arg2: memref<10000x128xf32, #tpu.memory_space<hbm>>, %arg3: memref<32x120x128xi32, #tpu.memory_space<hbm>>, %arg4: memref<32x120x128xi32, #tpu.memory_space<hbm>>, %arg5: memref<2x10240x128xf32, #tpu.memory_space<hbm>>, %arg6: memref<120x128xi32, #tpu.memory_space<vmem>>, %arg7: memref<128xi32, #tpu.memory_space<vmem>>, %arg8: memref<128xi32, #tpu.memory_space<vmem>>, %arg9: memref<128x128xf32, #tpu.memory_space<vmem>>, %arg10: memref<128x128xf32, #tpu.memory_space<vmem>>, %arg11: memref<10240x128xf32, #tpu.memory_space<vmem_shared>>, %arg12: memref<!tpu.dma_semaphore, #tpu.memory_space<semaphore_mem>>, %arg13: memref<!tpu.dma_semaphore, #tpu.memory_space<semaphore_mem>>, %arg14: memref<!tpu.dma_semaphore, #tpu.memory_space<semaphore_mem>>, %arg15: memref<!tpu.dma_semaphore, #tpu.memory_space<semaphore_mem>>) attributes {dimension_semantics = [#tpu.dimension_semantics<core_parallel>, #tpu.dimension_semantics<subcore_parallel>], iteration_bounds = array<i64: 2, 16>, scalar_prefetch = 0 : i64, scratch_operands = 10 : i64, tpu.core_type = #tpu.core_type<sc_vector_subcore>, window_params = [{transform_indices = #map}, {transform_indices = #map1}, {transform_indices = #map1}, {transform_indices = #map1}]} {
    %mul3A = arith.constant 2 : i32
    %mul3A_0 = arith.muli %arg1, %mul3A : i32
    %add3A = arith.addi %mul3A_0, %arg0 : i32
    %eq3A = arith.constant 0 : i32
    %eq3A_1 = arith.cmpi eq, %arg0, %eq3A : i32
    %jit3A = arith.constant 120 : i32
    %jit3A_2 = arith.constant 38 : i32
    %select_n3A = arith.select %eq3A_1, %jit3A, %jit3A_2 : i32
    %dma_start3A = arith.constant 0 : i32
    %dma_start3A_3 = arith.constant 0 : i32
    %dma_start3A_4 = tpu.memref_slice %arg3[%add3A, %dma_start3A, %dma_start3A_3] : memref<32x120x128xi32, #tpu.memory_space<hbm>> -> memref<1x120x128xi32, #tpu.memory_space<hbm>>
    %dma_start3A_5 = tpu.memref_squeeze %dma_start3A_4 : memref<1x120x128xi32, #tpu.memory_space<hbm>> -> memref<120x128xi32, #tpu.memory_space<hbm>>
    %dma_start3A_6 = arith.constant 0 : i32
    %dma_start3A_7 = arith.constant 0 : i32
    %dma_start3A_8 = tpu.memref_slice %arg3[%add3A, %dma_start3A_6, %dma_start3A_7] : memref<32x120x128xi32, #tpu.memory_space<hbm>> -> memref<1x120x128xi32, #tpu.memory_space<hbm>>
    %dma_start3A_9 = tpu.memref_squeeze %dma_start3A_8 : memref<1x120x128xi32, #tpu.memory_space<hbm>> -> memref<120x128xi32, #tpu.memory_space<hbm>>
    tpu.enqueue_dma source(%dma_start3A_9 : memref<120x128xi32, #tpu.memory_space<hbm>>) target(%arg6 : memref<120x128xi32, #tpu.memory_space<vmem>>) target_semaphore(%arg14 : memref<!tpu.dma_semaphore, #tpu.memory_space<semaphore_mem>>)
    %scan3A = arith.constant 0 : i32
    %scan3A_10 = arith.constant 128 : i32
    %scan3A_11 = arith.addi %scan3A, %scan3A_10 : i32
    %scan3A_12 = arith.constant 1 : i32
    scf.for %scan3A_50 = %scan3A to %scan3A_11 step %scan3A_12  : i32 {
      %mul3A_51 = arith.constant 1 : i32
      %mul3A_52 = arith.muli %scan3A_50, %mul3A_51 : i32
      %add3A_53 = arith.constant 0 : i32
      %add3A_54 = arith.addi %add3A_53, %mul3A_52 : i32
      %broadcast_in_dim3A = arith.constant 0.000000e+00 : f32
      %broadcast_in_dim3A_55 = vector.broadcast %broadcast_in_dim3A : f32 to vector<16xf32>
      %swap3A = arith.index_cast %add3A_54 : i32 to index
      %swap3A_56 = arith.constant 0 : index
      %swap3A_57 = tpu.vector_load %arg9[%swap3A, %swap3A_56] {strides = array<i32>} : memref<128x128xf32, #tpu.memory_space<vmem>>, vector<1x16xf32>,
      %swap3A_58 = vector.shape_cast %swap3A_57 : vector<1x16xf32> to vector<16xf32>
      %swap3A_59 = vector.shape_cast %broadcast_in_dim3A_55 : vector<16xf32> to vector<1x16xf32>
      tpu.vector_store %arg9[%swap3A, %swap3A_56], %swap3A_59 {strides = array<i32>} : memref<128x128xf32, #tpu.memory_space<vmem>>, vector<1x16xf32>,
      %broadcast_in_dim3A_60 = arith.constant 0.000000e+00 : f32
      %broadcast_in_dim3A_61 = vector.broadcast %broadcast_in_dim3A_60 : f32 to vector<16xf32>
      %swap3A_62 = arith.index_cast %add3A_54 : i32 to index
      %swap3A_63 = arith.constant 16 : index
      %swap3A_64 = tpu.vector_load %arg9[%swap3A_62, %swap3A_63] {strides = array<i32>} : memref<128x128xf32, #tpu.memory_space<vmem>>, vector<1x16xf32>,
      %swap3A_65 = vector.shape_cast %swap3A_64 : vector<1x16xf32> to vector<16xf32>
      %swap3A_66 = vector.shape_cast %broadcast_in_dim3A_61 : vector<16xf32> to vector<1x16xf32>
      tpu.vector_store %arg9[%swap3A_62, %swap3A_63], %swap3A_66 {strides = array<i32>} : memref<128x128xf32, #tpu.memory_space<vmem>>, vector<1x16xf32>,
      %broadcast_in_dim3A_67 = arith.constant 0.000000e+00 : f32
      %broadcast_in_dim3A_68 = vector.broadcast %broadcast_in_dim3A_67 : f32 to vector<16xf32>
      %swap3A_69 = arith.index_cast %add3A_54 : i32 to index
      %swap3A_70 = arith.constant 32 : index
      %swap3A_71 = tpu.vector_load %arg9[%swap3A_69, %swap3A_70] {strides = array<i32>} : memref<128x128xf32, #tpu.memory_space<vmem>>, vector<1x16xf32>,
      %swap3A_72 = vector.shape_cast %swap3A_71 : vector<1x16xf32> to vector<16xf32>
      %swap3A_73 = vector.shape_cast %broadcast_in_dim3A_68 : vector<16xf32> to vector<1x16xf32>
      tpu.vector_store %arg9[%swap3A_69, %swap3A_70], %swap3A_73 {strides = array<i32>} : memref<128x128xf32, #tpu.memory_space<vmem>>, vector<1x16xf32>,
      %broadcast_in_dim3A_74 = arith.constant 0.000000e+00 : f32
      %broadcast_in_dim3A_75 = vector.broadcast %broadcast_in_dim3A_74 : f32 to vector<16xf32>
      %swap3A_76 = arith.index_cast %add3A_54 : i32 to index
      %swap3A_77 = arith.constant 48 : index
      %swap3A_78 = tpu.vector_load %arg9[%swap3A_76, %swap3A_77] {strides = array<i32>} : memref<128x128xf32, #tpu.memory_space<vmem>>, vector<1x16xf32>,
      %swap3A_79 = vector.shape_cast %swap3A_78 : vector<1x16xf32> to vector<16xf32>
      %swap3A_80 = vector.shape_cast %broadcast_in_dim3A_75 : vector<16xf32> to vector<1x16xf32>
      tpu.vector_store %arg9[%swap3A_76, %swap3A_77], %swap3A_80 {strides = array<i32>} : memref<128x128xf32, #tpu.memory_space<vmem>>, vector<1x16xf32>,
      %broadcast_in_dim3A_81 = arith.constant 0.000000e+00 : f32
      %broadcast_in_dim3A_82 = vector.broadcast %broadcast_in_dim3A_81 : f32 to vector<16xf32>
      %swap3A_83 = arith.index_cast %add3A_54 : i32 to index
      %swap3A_84 = arith.constant 64 : index
      %swap3A_85 = tpu.vector_load %arg9[%swap3A_83, %swap3A_84] {strides = array<i32>} : memref<128x128xf32, #tpu.memory_space<vmem>>, vector<1x16xf32>,
      %swap3A_86 = vector.shape_cast %swap3A_85 : vector<1x16xf32> to vector<16xf32>
      %swap3A_87 = vector.shape_cast %broadcast_in_dim3A_82 : vector<16xf32> to vector<1x16xf32>
      tpu.vector_store %arg9[%swap3A_83, %swap3A_84], %swap3A_87 {strides = array<i32>} : memref<128x128xf32, #tpu.memory_space<vmem>>, vector<1x16xf32>,
      %broadcast_in_dim3A_88 = arith.constant 0.000000e+00 : f32
      %broadcast_in_dim3A_89 = vector.broadcast %broadcast_in_dim3A_88 : f32 to vector<16xf32>
      %swap3A_90 = arith.index_cast %add3A_54 : i32 to index
      %swap3A_91 = arith.constant 80 : index
      %swap3A_92 = tpu.vector_load %arg9[%swap3A_90, %swap3A_91] {strides = array<i32>} : memref<128x128xf32, #tpu.memory_space<vmem>>, vector<1x16xf32>,
      %swap3A_93 = vector.shape_cast %swap3A_92 : vector<1x16xf32> to vector<16xf32>
      %swap3A_94 = vector.shape_cast %broadcast_in_dim3A_89 : vector<16xf32> to vector<1x16xf32>
      tpu.vector_store %arg9[%swap3A_90, %swap3A_91], %swap3A_94 {strides = array<i32>} : memref<128x128xf32, #tpu.memory_space<vmem>>, vector<1x16xf32>,
      %broadcast_in_dim3A_95 = arith.constant 0.000000e+00 : f32
      %broadcast_in_dim3A_96 = vector.broadcast %broadcast_in_dim3A_95 : f32 to vector<16xf32>
      %swap3A_97 = arith.index_cast %add3A_54 : i32 to index
      %swap3A_98 = arith.constant 96 : index
      %swap3A_99 = tpu.vector_load %arg9[%swap3A_97, %swap3A_98] {strides = array<i32>} : memref<128x128xf32, #tpu.memory_space<vmem>>, vector<1x16xf32>,
      %swap3A_100 = vector.shape_cast %swap3A_99 : vector<1x16xf32> to vector<16xf32>
      %swap3A_101 = vector.shape_cast %broadcast_in_dim3A_96 : vector<16xf32> to vector<1x16xf32>
      tpu.vector_store %arg9[%swap3A_97, %swap3A_98], %swap3A_101 {strides = array<i32>} : memref<128x128xf32, #tpu.memory_space<vmem>>, vector<1x16xf32>,
      %broadcast_in_dim3A_102 = arith.constant 0.000000e+00 : f32
      %broadcast_in_dim3A_103 = vector.broadcast %broadcast_in_dim3A_102 : f32 to vector<16xf32>
      %swap3A_104 = arith.index_cast %add3A_54 : i32 to index
      %swap3A_105 = arith.constant 112 : index
      %swap3A_106 = tpu.vector_load %arg9[%swap3A_104, %swap3A_105] {strides = array<i32>} : memref<128x128xf32, #tpu.memory_space<vmem>>, vector<1x16xf32>,
      %swap3A_107 = vector.shape_cast %swap3A_106 : vector<1x16xf32> to vector<16xf32>
      %swap3A_108 = vector.shape_cast %broadcast_in_dim3A_103 : vector<16xf32> to vector<1x16xf32>
      tpu.vector_store %arg9[%swap3A_104, %swap3A_105], %swap3A_108 {strides = array<i32>} : memref<128x128xf32, #tpu.memory_space<vmem>>, vector<1x16xf32>,
    }
    %scan3A_13 = arith.constant 128 : i32
    %scan3A_14 = arith.constant 0 : i32
    %scan3A_15 = arith.constant 5 : i32
    %scan3A_16 = arith.addi %scan3A_14, %scan3A_15 : i32
    %scan3A_17 = arith.constant 1 : i32
    scf.for %scan3A_50 = %scan3A_14 to %scan3A_16 step %scan3A_17  : i32 {
      %mul3A_51 = arith.constant 1 : i32
      %mul3A_52 = arith.muli %scan3A_50, %mul3A_51 : i32
      %add3A_53 = arith.constant 0 : i32
      %add3A_54 = arith.addi %add3A_53, %mul3A_52 : i32
      %mul3A_55 = arith.constant 640 : i32
      %mul3A_56 = arith.muli %arg1, %mul3A_55 : i32
      %mul3A_57 = arith.constant 128 : i32
      %mul3A_58 = arith.muli %add3A_54, %mul3A_57 : i32
      %add3A_59 = arith.addi %mul3A_56, %mul3A_58 : i32
      "tpu.region"() ({
        %run_scoped3A = tpu.sem_alloc : memref<!tpu.dma_semaphore, #tpu.memory_space<semaphore_mem>>
        %dma_start3A_60 = arith.constant 0 : i32
        %dma_start3A_61 = tpu.memref_slice %arg11[%add3A_59, %dma_start3A_60] : memref<10240x128xf32, #tpu.memory_space<vmem_shared>> -> memref<128x128xf32, #tpu.memory_space<vmem_shared>>
        %dma_start3A_62 = arith.constant 0 : i32
        %dma_start3A_63 = tpu.memref_slice %arg11[%add3A_59, %dma_start3A_62] : memref<10240x128xf32, #tpu.memory_space<vmem_shared>> -> memref<128x128xf32, #tpu.memory_space<vmem_shared>>
        tpu.enqueue_dma source(%arg9 : memref<128x128xf32, #tpu.memory_space<vmem>>) target(%dma_start3A_63 : memref<128x128xf32, #tpu.memory_space<vmem_shared>>) target_semaphore(%run_scoped3A : memref<!tpu.dma_semaphore, #tpu.memory_space<semaphore_mem>>)
        %dma_wait3A_64 = arith.constant 0 : i32
        %dma_wait3A_65 = tpu.memref_slice %arg11[%add3A_59, %dma_wait3A_64] : memref<10240x128xf32, #tpu.memory_space<vmem_shared>> -> memref<128x128xf32, #tpu.memory_space<vmem_shared>>
        %dma_wait3A_66 = arith.constant 0 : i32
        %dma_wait3A_67 = tpu.memref_slice %arg11[%add3A_59, %dma_wait3A_66] : memref<10240x128xf32, #tpu.memory_space<vmem_shared>> -> memref<128x128xf32, #tpu.memory_space<vmem_shared>>
        tpu.wait_dma2 semaphore(%run_scoped3A : memref<!tpu.dma_semaphore, #tpu.memory_space<semaphore_mem>>) src(%arg9 : memref<128x128xf32, #tpu.memory_space<vmem>>) dst(%dma_wait3A_67 : memref<128x128xf32, #tpu.memory_space<vmem_shared>>)
        tpu.yield
      }) : () -> ()
    }
    %scan3A_18 = arith.constant 5 : i32
    %dma_wait3A = arith.constant 0 : i32
    %dma_wait3A_19 = arith.constant 0 : i32
    %dma_wait3A_20 = tpu.memref_slice %arg3[%add3A, %dma_wait3A, %dma_wait3A_19] : memref<32x120x128xi32, #tpu.memory_space<hbm>> -> memref<1x120x128xi32, #tpu.memory_space<hbm>>
    %dma_wait3A_21 = tpu.memref_squeeze %dma_wait3A_20 : memref<1x120x128xi32, #tpu.memory_space<hbm>> -> memref<120x128xi32, #tpu.memory_space<hbm>>
    %dma_wait3A_22 = arith.constant 0 : i32
    %dma_wait3A_23 = arith.constant 0 : i32
    %dma_wait3A_24 = tpu.memref_slice %arg3[%add3A, %dma_wait3A_22, %dma_wait3A_23] : memref<32x120x128xi32, #tpu.memory_space<hbm>> -> memref<1x120x128xi32, #tpu.memory_space<hbm>>
    %dma_wait3A_25 = tpu.memref_squeeze %dma_wait3A_24 : memref<1x120x128xi32, #tpu.memory_space<hbm>> -> memref<120x128xi32, #tpu.memory_space<hbm>>
    tpu.wait_dma2 semaphore(%arg14 : memref<!tpu.dma_semaphore, #tpu.memory_space<semaphore_mem>>) src(%dma_wait3A_25 : memref<120x128xi32, #tpu.memory_space<hbm>>) dst(%arg6 : memref<120x128xi32, #tpu.memory_space<vmem>>)
    %barrier3A = arith.constant 0 : index
    tpu.barrier barrier_id(%barrier3A)
    %gt3A = arith.constant 0 : i32
    %gt3A_26 = arith.cmpi sgt, %select_n3A, %gt3A : i32
    %convert_element_type3A = arith.extui %gt3A_26 : i1 to i32
    %cond3A = arith.constant 0 : i32
    %cond3A_27 = arith.cmpi ne, %convert_element_type3A, %cond3A : i32
    scf.if %cond3A_27 {
      %dma_start3A_50 = arith.constant 0 : i32
      %dma_start3A_51 = arith.constant 0 : i32
      %dma_start3A_52 = tpu.memref_slice %arg6[%dma_start3A_50, %dma_start3A_51] : memref<120x128xi32, #tpu.memory_space<vmem>> -> memref<1x128xi32, #tpu.memory_space<vmem>>
      %dma_start3A_53 = tpu.memref_squeeze %dma_start3A_52 : memref<1x128xi32, #tpu.memory_space<vmem>> -> memref<128xi32, #tpu.memory_space<vmem>>
      %dma_start3A_54 = arith.constant 0 : i32
      %dma_start3A_55 = arith.constant 0 : i32
      %dma_start3A_56 = tpu.memref_slice %arg2[%dma_start3A_54, %dma_start3A_55] : memref<10000x128xf32, #tpu.memory_space<hbm>> -> memref<10000x128xf32, #tpu.memory_space<hbm>>
      tpu.enqueue_indirect_dma source(%dma_start3A_56 : memref<10000x128xf32, #tpu.memory_space<hbm>>) target(%arg9 : memref<128x128xf32, #tpu.memory_space<vmem>>) offsets(%dma_start3A_53 : memref<128xi32, #tpu.memory_space<vmem>>) semaphore(%arg12 : memref<!tpu.dma_semaphore, #tpu.memory_space<semaphore_mem>>)
      %dma_start3A_57 = arith.constant 0 : i32
      %dma_start3A_58 = arith.constant 0 : i32
      %dma_start3A_59 = tpu.memref_slice %arg4[%add3A, %dma_start3A_57, %dma_start3A_58] : memref<32x120x128xi32, #tpu.memory_space<hbm>> -> memref<1x1x128xi32, #tpu.memory_space<hbm>>
      %dma_start3A_60 = tpu.memref_squeeze %dma_start3A_59 : memref<1x1x128xi32, #tpu.memory_space<hbm>> -> memref<128xi32, #tpu.memory_space<hbm>>
      %dma_start3A_61 = arith.constant 0 : i32
      %dma_start3A_62 = tpu.memref_slice %arg4[%add3A, %dma_start3A_57, %dma_start3A_61] : memref<32x120x128xi32, #tpu.memory_space<hbm>> -> memref<1x1x128xi32, #tpu.memory_space<hbm>>
      %dma_start3A_63 = tpu.memref_squeeze %dma_start3A_62 : memref<1x1x128xi32, #tpu.memory_space<hbm>> -> memref<128xi32, #tpu.memory_space<hbm>>
      tpu.enqueue_dma source(%dma_start3A_63 : memref<128xi32, #tpu.memory_space<hbm>>) target(%arg7 : memref<128xi32, #tpu.memory_space<vmem>>) target_semaphore(%arg14 : memref<!tpu.dma_semaphore, #tpu.memory_space<semaphore_mem>>)
    } else {
    }
    %sub3A = arith.constant 0 : i32
    %sub3A_28 = arith.subi %select_n3A, %sub3A : i32
    %sub3A_29 = arith.constant 2 : i32
    %sub3A_30 = arith.constant 1 : i32
    %sub3A_31 = arith.subi %sub3A_29, %sub3A_30 : i32
    %add3A_32 = arith.addi %sub3A_28, %sub3A_31 : i32
    %div3A = arith.constant 2 : i32
    %div3A_33 = arith.divsi %add3A_32, %div3A : i32
    %while3A = arith.constant 2 : i32
    %while3A_34 = arith.constant 0 : i32
    %while3A_35 = arith.constant 0 : i32
    %while3A_36 = arith.subi %div3A_33, %while3A_35 : i32
    %while3A_37 = arith.addi %while3A_35, %while3A_36 : i32
    %while3A_38 = arith.constant 1 : i32
    %while3A_39 = arith.divsi %while3A_36, %while3A_38 : i32
    %while3A_40 = arith.muli %while3A_39, %while3A_38 : i32
    %while3A_41 = arith.addi %while3A_35, %while3A_40 : i32
    %while3A_42 = arith.constant 1 : i32
    scf.for %while3A_50 = %while3A_35 to %while3A_41 step %while3A_42  : i32 {
      %mul3A_51 = arith.muli %while3A_50, %while3A : i32
      %add3A_52 = arith.addi %while3A_34, %mul3A_51 : i32
      %add3A_53 = arith.constant 1 : i32
      %add3A_54 = arith.addi %add3A_52, %add3A_53 : i32
      %lt3A = arith.cmpi slt, %add3A_54, %select_n3A : i32
      %convert_element_type3A_55 = arith.extui %lt3A : i1 to i32
      %cond3A_56 = arith.constant 0 : i32
      %cond3A_57 = arith.cmpi ne, %convert_element_type3A_55, %cond3A_56 : i32
      scf.if %cond3A_57 {
        %add3A_82 = arith.constant 1 : i32
        %add3A_83 = arith.addi %add3A_52, %add3A_82 : i32
        %dma_start3A_84 = arith.constant 0 : i32
        %dma_start3A_85 = tpu.memref_slice %arg6[%add3A_83, %dma_start3A_84] : memref<120x128xi32, #tpu.memory_space<vmem>> -> memref<1x128xi32, #tpu.memory_space<vmem>>
        %dma_start3A_86 = tpu.memref_squeeze %dma_start3A_85 : memref<1x128xi32, #tpu.memory_space<vmem>> -> memref<128xi32, #tpu.memory_space<vmem>>
        %dma_start3A_87 = arith.constant 0 : i32
        %dma_start3A_88 = arith.constant 0 : i32
        %dma_start3A_89 = tpu.memref_slice %arg2[%dma_start3A_87, %dma_start3A_88] : memref<10000x128xf32, #tpu.memory_space<hbm>> -> memref<10000x128xf32, #tpu.memory_space<hbm>>
        tpu.enqueue_indirect_dma source(%dma_start3A_89 : memref<10000x128xf32, #tpu.memory_space<hbm>>) target(%arg10 : memref<128x128xf32, #tpu.memory_space<vmem>>) offsets(%dma_start3A_86 : memref<128xi32, #tpu.memory_space<vmem>>) semaphore(%arg13 : memref<!tpu.dma_semaphore, #tpu.memory_space<semaphore_mem>>)
        %add3A_90 = arith.constant 1 : i32
        %add3A_91 = arith.addi %add3A_52, %add3A_90 : i32
        %dma_start3A_92 = arith.constant 0 : i32
        %dma_start3A_93 = tpu.memref_slice %arg4[%add3A, %add3A_91, %dma_start3A_92] : memref<32x120x128xi32, #tpu.memory_space<hbm>> -> memref<1x1x128xi32, #tpu.memory_space<hbm>>
        %dma_start3A_94 = tpu.memref_squeeze %dma_start3A_93 : memref<1x1x128xi32, #tpu.memory_space<hbm>> -> memref<128xi32, #tpu.memory_space<hbm>>
        %dma_start3A_95 = arith.constant 0 : i32
        %dma_start3A_96 = tpu.memref_slice %arg4[%add3A, %add3A_91, %dma_start3A_95] : memref<32x120x128xi32, #tpu.memory_space<hbm>> -> memref<1x1x128xi32, #tpu.memory_space<hbm>>
        %dma_start3A_97 = tpu.memref_squeeze %dma_start3A_96 : memref<1x1x128xi32, #tpu.memory_space<hbm>> -> memref<128xi32, #tpu.memory_space<hbm>>
        tpu.enqueue_dma source(%dma_start3A_97 : memref<128xi32, #tpu.memory_space<hbm>>) target(%arg8 : memref<128xi32, #tpu.memory_space<vmem>>) target_semaphore(%arg15 : memref<!tpu.dma_semaphore, #tpu.memory_space<semaphore_mem>>)
      } else {
      }
      %dma_wait3A_58 = arith.constant 0 : i32
      %dma_wait3A_59 = tpu.memref_slice %arg6[%add3A_52, %dma_wait3A_58] : memref<120x128xi32, #tpu.memory_space<vmem>> -> memref<1x128xi32, #tpu.memory_space<vmem>>
      %dma_wait3A_60 = tpu.memref_squeeze %dma_wait3A_59 : memref<1x128xi32, #tpu.memory_space<vmem>> -> memref<128xi32, #tpu.memory_space<vmem>>
      %dma_wait3A_61 = arith.constant 0 : i32
      %dma_wait3A_62 = arith.constant 0 : i32
      %dma_wait3A_63 = tpu.memref_slice %arg2[%dma_wait3A_61, %dma_wait3A_62] : memref<10000x128xf32, #tpu.memory_space<hbm>> -> memref<10000x128xf32, #tpu.memory_space<hbm>>
      tpu.wait_indirect_dma semaphore(%arg12 : memref<!tpu.dma_semaphore, #tpu.memory_space<semaphore_mem>>) src(%dma_wait3A_63 : memref<10000x128xf32, #tpu.memory_space<hbm>>) dst(%arg9 : memref<128x128xf32, #tpu.memory_space<vmem>>)
      %dma_wait3A_64 = arith.constant 0 : i32
      %dma_wait3A_65 = tpu.memref_slice %arg4[%add3A, %add3A_52, %dma_wait3A_64] : memref<32x120x128xi32, #tpu.memory_space<hbm>> -> memref<1x1x128xi32, #tpu.memory_space<hbm>>
      %dma_wait3A_66 = tpu.memref_squeeze %dma_wait3A_65 : memref<1x1x128xi32, #tpu.memory_space<hbm>> -> memref<128xi32, #tpu.memory_space<hbm>>
      %dma_wait3A_67 = arith.constant 0 : i32
      %dma_wait3A_68 = tpu.memref_slice %arg4[%add3A, %add3A_52, %dma_wait3A_67] : memref<32x120x128xi32, #tpu.memory_space<hbm>> -> memref<1x1x128xi32, #tpu.memory_space<hbm>>
      %dma_wait3A_69 = tpu.memref_squeeze %dma_wait3A_68 : memref<1x1x128xi32, #tpu.memory_space<hbm>> -> memref<128xi32, #tpu.memory_space<hbm>>
      tpu.wait_dma2 semaphore(%arg14 : memref<!tpu.dma_semaphore, #tpu.memory_space<semaphore_mem>>) src(%dma_wait3A_69 : memref<128xi32, #tpu.memory_space<hbm>>) dst(%arg7 : memref<128xi32, #tpu.memory_space<vmem>>)
      "tpu.region"() ({
        %run_scoped3A = tpu.sem_alloc : memref<!tpu.dma_semaphore, #tpu.memory_space<semaphore_mem>>
        %dma_start3A_82 = arith.constant 0 : i32
        %dma_start3A_83 = arith.constant 0 : i32
        %dma_start3A_84 = tpu.memref_slice %arg11[%dma_start3A_82, %dma_start3A_83] : memref<10240x128xf32, #tpu.memory_space<vmem_shared>> -> memref<10240x128xf32, #tpu.memory_space<vmem_shared>>
        tpu.enqueue_indirect_dma source(%arg9 : memref<128x128xf32, #tpu.memory_space<vmem>>) target(%dma_start3A_84 : memref<10240x128xf32, #tpu.memory_space<vmem_shared>>) offsets(%arg7 : memref<128xi32, #tpu.memory_space<vmem>>) semaphore(%run_scoped3A : memref<!tpu.dma_semaphore, #tpu.memory_space<semaphore_mem>>) {add = true}
        %dma_wait3A_85 = arith.constant 0 : i32
        %dma_wait3A_86 = arith.constant 0 : i32
        %dma_wait3A_87 = tpu.memref_slice %arg11[%dma_wait3A_85, %dma_wait3A_86] : memref<10240x128xf32, #tpu.memory_space<vmem_shared>> -> memref<10240x128xf32, #tpu.memory_space<vmem_shared>>
        tpu.wait_indirect_dma semaphore(%run_scoped3A : memref<!tpu.dma_semaphore, #tpu.memory_space<semaphore_mem>>) src(%arg9 : memref<128x128xf32, #tpu.memory_space<vmem>>) dst(%dma_wait3A_87 : memref<10240x128xf32, #tpu.memory_space<vmem_shared>>)
        tpu.yield
      }) : () -> ()
      %add3A_70 = arith.constant 2 : i32
      %add3A_71 = arith.addi %add3A_52, %add3A_70 : i32
      %lt3A_72 = arith.cmpi slt, %add3A_71, %select_n3A : i32
      %convert_element_type3A_73 = arith.extui %lt3A_72 : i1 to i32
      %cond3A_74 = arith.constant 0 : i32
      %cond3A_75 = arith.cmpi ne, %convert_element_type3A_73, %cond3A_74 : i32
      scf.if %cond3A_75 {
        %add3A_82 = arith.constant 2 : i32
        %add3A_83 = arith.addi %add3A_52, %add3A_82 : i32
        %dma_start3A_84 = arith.constant 0 : i32
        %dma_start3A_85 = tpu.memref_slice %arg6[%add3A_83, %dma_start3A_84] : memref<120x128xi32, #tpu.memory_space<vmem>> -> memref<1x128xi32, #tpu.memory_space<vmem>>
        %dma_start3A_86 = tpu.memref_squeeze %dma_start3A_85 : memref<1x128xi32, #tpu.memory_space<vmem>> -> memref<128xi32, #tpu.memory_space<vmem>>
        %dma_start3A_87 = arith.constant 0 : i32
        %dma_start3A_88 = arith.constant 0 : i32
        %dma_start3A_89 = tpu.memref_slice %arg2[%dma_start3A_87, %dma_start3A_88] : memref<10000x128xf32, #tpu.memory_space<hbm>> -> memref<10000x128xf32, #tpu.memory_space<hbm>>
        tpu.enqueue_indirect_dma source(%dma_start3A_89 : memref<10000x128xf32, #tpu.memory_space<hbm>>) target(%arg9 : memref<128x128xf32, #tpu.memory_space<vmem>>) offsets(%dma_start3A_86 : memref<128xi32, #tpu.memory_space<vmem>>) semaphore(%arg12 : memref<!tpu.dma_semaphore, #tpu.memory_space<semaphore_mem>>)
        %add3A_90 = arith.constant 2 : i32
        %add3A_91 = arith.addi %add3A_52, %add3A_90 : i32
        %dma_start3A_92 = arith.constant 0 : i32
        %dma_start3A_93 = tpu.memref_slice %arg4[%add3A, %add3A_91, %dma_start3A_92] : memref<32x120x128xi32, #tpu.memory_space<hbm>> -> memref<1x1x128xi32, #tpu.memory_space<hbm>>
        %dma_start3A_94 = tpu.memref_squeeze %dma_start3A_93 : memref<1x1x128xi32, #tpu.memory_space<hbm>> -> memref<128xi32, #tpu.memory_space<hbm>>
        %dma_start3A_95 = arith.constant 0 : i32
        %dma_start3A_96 = tpu.memref_slice %arg4[%add3A, %add3A_91, %dma_start3A_95] : memref<32x120x128xi32, #tpu.memory_space<hbm>> -> memref<1x1x128xi32, #tpu.memory_space<hbm>>
        %dma_start3A_97 = tpu.memref_squeeze %dma_start3A_96 : memref<1x1x128xi32, #tpu.memory_space<hbm>> -> memref<128xi32, #tpu.memory_space<hbm>>
        tpu.enqueue_dma source(%dma_start3A_97 : memref<128xi32, #tpu.memory_space<hbm>>) target(%arg7 : memref<128xi32, #tpu.memory_space<vmem>>) target_semaphore(%arg14 : memref<!tpu.dma_semaphore, #tpu.memory_space<semaphore_mem>>)
      } else {
      }
      %add3A_76 = arith.constant 1 : i32
      %add3A_77 = arith.addi %add3A_52, %add3A_76 : i32
      %lt3A_78 = arith.cmpi slt, %add3A_77, %select_n3A : i32
      %convert_element_type3A_79 = arith.extui %lt3A_78 : i1 to i32
      %cond3A_80 = arith.constant 0 : i32
      %cond3A_81 = arith.cmpi ne, %convert_element_type3A_79, %cond3A_80 : i32
      scf.if %cond3A_81 {
        %add3A_82 = arith.constant 1 : i32
        %add3A_83 = arith.addi %add3A_52, %add3A_82 : i32
        %dma_wait3A_84 = arith.constant 0 : i32
        %dma_wait3A_85 = tpu.memref_slice %arg6[%add3A_83, %dma_wait3A_84] : memref<120x128xi32, #tpu.memory_space<vmem>> -> memref<1x128xi32, #tpu.memory_space<vmem>>
        %dma_wait3A_86 = tpu.memref_squeeze %dma_wait3A_85 : memref<1x128xi32, #tpu.memory_space<vmem>> -> memref<128xi32, #tpu.memory_space<vmem>>
        %dma_wait3A_87 = arith.constant 0 : i32
        %dma_wait3A_88 = arith.constant 0 : i32
        %dma_wait3A_89 = tpu.memref_slice %arg2[%dma_wait3A_87, %dma_wait3A_88] : memref<10000x128xf32, #tpu.memory_space<hbm>> -> memref<10000x128xf32, #tpu.memory_space<hbm>>
        tpu.wait_indirect_dma semaphore(%arg13 : memref<!tpu.dma_semaphore, #tpu.memory_space<semaphore_mem>>) src(%dma_wait3A_89 : memref<10000x128xf32, #tpu.memory_space<hbm>>) dst(%arg10 : memref<128x128xf32, #tpu.memory_space<vmem>>)
        %add3A_90 = arith.constant 1 : i32
        %add3A_91 = arith.addi %add3A_52, %add3A_90 : i32
        %dma_wait3A_92 = arith.constant 0 : i32
        %dma_wait3A_93 = tpu.memref_slice %arg4[%add3A, %add3A_91, %dma_wait3A_92] : memref<32x120x128xi32, #tpu.memory_space<hbm>> -> memref<1x1x128xi32, #tpu.memory_space<hbm>>
        %dma_wait3A_94 = tpu.memref_squeeze %dma_wait3A_93 : memref<1x1x128xi32, #tpu.memory_space<hbm>> -> memref<128xi32, #tpu.memory_space<hbm>>
        %dma_wait3A_95 = arith.constant 0 : i32
        %dma_wait3A_96 = tpu.memref_slice %arg4[%add3A, %add3A_91, %dma_wait3A_95] : memref<32x120x128xi32, #tpu.memory_space<hbm>> -> memref<1x1x128xi32, #tpu.memory_space<hbm>>
        %dma_wait3A_97 = tpu.memref_squeeze %dma_wait3A_96 : memref<1x1x128xi32, #tpu.memory_space<hbm>> -> memref<128xi32, #tpu.memory_space<hbm>>
        tpu.wait_dma2 semaphore(%arg15 : memref<!tpu.dma_semaphore, #tpu.memory_space<semaphore_mem>>) src(%dma_wait3A_97 : memref<128xi32, #tpu.memory_space<hbm>>) dst(%arg8 : memref<128xi32, #tpu.memory_space<vmem>>)
        "tpu.region"() ({
          %run_scoped3A = tpu.sem_alloc : memref<!tpu.dma_semaphore, #tpu.memory_space<semaphore_mem>>
          %dma_start3A_98 = arith.constant 0 : i32
          %dma_start3A_99 = arith.constant 0 : i32
          %dma_start3A_100 = tpu.memref_slice %arg11[%dma_start3A_98, %dma_start3A_99] : memref<10240x128xf32, #tpu.memory_space<vmem_shared>> -> memref<10240x128xf32, #tpu.memory_space<vmem_shared>>
          tpu.enqueue_indirect_dma source(%arg10 : memref<128x128xf32, #tpu.memory_space<vmem>>) target(%dma_start3A_100 : memref<10240x128xf32, #tpu.memory_space<vmem_shared>>) offsets(%arg8 : memref<128xi32, #tpu.memory_space<vmem>>) semaphore(%run_scoped3A : memref<!tpu.dma_semaphore, #tpu.memory_space<semaphore_mem>>) {add = true}
          %dma_wait3A_101 = arith.constant 0 : i32
          %dma_wait3A_102 = arith.constant 0 : i32
          %dma_wait3A_103 = tpu.memref_slice %arg11[%dma_wait3A_101, %dma_wait3A_102] : memref<10240x128xf32, #tpu.memory_space<vmem_shared>> -> memref<10240x128xf32, #tpu.memory_space<vmem_shared>>
          tpu.wait_indirect_dma semaphore(%run_scoped3A : memref<!tpu.dma_semaphore, #tpu.memory_space<semaphore_mem>>) src(%arg10 : memref<128x128xf32, #tpu.memory_space<vmem>>) dst(%dma_wait3A_103 : memref<10240x128xf32, #tpu.memory_space<vmem_shared>>)
          tpu.yield
        }) : () -> ()
      } else {
      }
    }
    %while3A_43 = arith.constant 1 : i32
    scf.for %while3A_50 = %while3A_41 to %while3A_37 step %while3A_43  : i32 {
      %mul3A_51 = arith.muli %while3A_50, %while3A : i32
      %add3A_52 = arith.addi %while3A_34, %mul3A_51 : i32
      %add3A_53 = arith.constant 1 : i32
      %add3A_54 = arith.addi %add3A_52, %add3A_53 : i32
      %lt3A = arith.cmpi slt, %add3A_54, %select_n3A : i32
      %convert_element_type3A_55 = arith.extui %lt3A : i1 to i32
      %cond3A_56 = arith.constant 0 : i32
      %cond3A_57 = arith.cmpi ne, %convert_element_type3A_55, %cond3A_56 : i32
      scf.if %cond3A_57 {
        %add3A_82 = arith.constant 1 : i32
        %add3A_83 = arith.addi %add3A_52, %add3A_82 : i32
        %dma_start3A_84 = arith.constant 0 : i32
        %dma_start3A_85 = tpu.memref_slice %arg6[%add3A_83, %dma_start3A_84] : memref<120x128xi32, #tpu.memory_space<vmem>> -> memref<1x128xi32, #tpu.memory_space<vmem>>
        %dma_start3A_86 = tpu.memref_squeeze %dma_start3A_85 : memref<1x128xi32, #tpu.memory_space<vmem>> -> memref<128xi32, #tpu.memory_space<vmem>>
        %dma_start3A_87 = arith.constant 0 : i32
        %dma_start3A_88 = arith.constant 0 : i32
        %dma_start3A_89 = tpu.memref_slice %arg2[%dma_start3A_87, %dma_start3A_88] : memref<10000x128xf32, #tpu.memory_space<hbm>> -> memref<10000x128xf32, #tpu.memory_space<hbm>>
        tpu.enqueue_indirect_dma source(%dma_start3A_89 : memref<10000x128xf32, #tpu.memory_space<hbm>>) target(%arg10 : memref<128x128xf32, #tpu.memory_space<vmem>>) offsets(%dma_start3A_86 : memref<128xi32, #tpu.memory_space<vmem>>) semaphore(%arg13 : memref<!tpu.dma_semaphore, #tpu.memory_space<semaphore_mem>>)
        %add3A_90 = arith.constant 1 : i32
        %add3A_91 = arith.addi %add3A_52, %add3A_90 : i32
        %dma_start3A_92 = arith.constant 0 : i32
        %dma_start3A_93 = tpu.memref_slice %arg4[%add3A, %add3A_91, %dma_start3A_92] : memref<32x120x128xi32, #tpu.memory_space<hbm>> -> memref<1x1x128xi32, #tpu.memory_space<hbm>>
        %dma_start3A_94 = tpu.memref_squeeze %dma_start3A_93 : memref<1x1x128xi32, #tpu.memory_space<hbm>> -> memref<128xi32, #tpu.memory_space<hbm>>
        %dma_start3A_95 = arith.constant 0 : i32
        %dma_start3A_96 = tpu.memref_slice %arg4[%add3A, %add3A_91, %dma_start3A_95] : memref<32x120x128xi32, #tpu.memory_space<hbm>> -> memref<1x1x128xi32, #tpu.memory_space<hbm>>
        %dma_start3A_97 = tpu.memref_squeeze %dma_start3A_96 : memref<1x1x128xi32, #tpu.memory_space<hbm>> -> memref<128xi32, #tpu.memory_space<hbm>>
        tpu.enqueue_dma source(%dma_start3A_97 : memref<128xi32, #tpu.memory_space<hbm>>) target(%arg8 : memref<128xi32, #tpu.memory_space<vmem>>) target_semaphore(%arg15 : memref<!tpu.dma_semaphore, #tpu.memory_space<semaphore_mem>>)
      } else {
      }
      %dma_wait3A_58 = arith.constant 0 : i32
      %dma_wait3A_59 = tpu.memref_slice %arg6[%add3A_52, %dma_wait3A_58] : memref<120x128xi32, #tpu.memory_space<vmem>> -> memref<1x128xi32, #tpu.memory_space<vmem>>
      %dma_wait3A_60 = tpu.memref_squeeze %dma_wait3A_59 : memref<1x128xi32, #tpu.memory_space<vmem>> -> memref<128xi32, #tpu.memory_space<vmem>>
      %dma_wait3A_61 = arith.constant 0 : i32
      %dma_wait3A_62 = arith.constant 0 : i32
      %dma_wait3A_63 = tpu.memref_slice %arg2[%dma_wait3A_61, %dma_wait3A_62] : memref<10000x128xf32, #tpu.memory_space<hbm>> -> memref<10000x128xf32, #tpu.memory_space<hbm>>
      tpu.wait_indirect_dma semaphore(%arg12 : memref<!tpu.dma_semaphore, #tpu.memory_space<semaphore_mem>>) src(%dma_wait3A_63 : memref<10000x128xf32, #tpu.memory_space<hbm>>) dst(%arg9 : memref<128x128xf32, #tpu.memory_space<vmem>>)
      %dma_wait3A_64 = arith.constant 0 : i32
      %dma_wait3A_65 = tpu.memref_slice %arg4[%add3A, %add3A_52, %dma_wait3A_64] : memref<32x120x128xi32, #tpu.memory_space<hbm>> -> memref<1x1x128xi32, #tpu.memory_space<hbm>>
      %dma_wait3A_66 = tpu.memref_squeeze %dma_wait3A_65 : memref<1x1x128xi32, #tpu.memory_space<hbm>> -> memref<128xi32, #tpu.memory_space<hbm>>
      %dma_wait3A_67 = arith.constant 0 : i32
      %dma_wait3A_68 = tpu.memref_slice %arg4[%add3A, %add3A_52, %dma_wait3A_67] : memref<32x120x128xi32, #tpu.memory_space<hbm>> -> memref<1x1x128xi32, #tpu.memory_space<hbm>>
      %dma_wait3A_69 = tpu.memref_squeeze %dma_wait3A_68 : memref<1x1x128xi32, #tpu.memory_space<hbm>> -> memref<128xi32, #tpu.memory_space<hbm>>
      tpu.wait_dma2 semaphore(%arg14 : memref<!tpu.dma_semaphore, #tpu.memory_space<semaphore_mem>>) src(%dma_wait3A_69 : memref<128xi32, #tpu.memory_space<hbm>>) dst(%arg7 : memref<128xi32, #tpu.memory_space<vmem>>)
      "tpu.region"() ({
        %run_scoped3A = tpu.sem_alloc : memref<!tpu.dma_semaphore, #tpu.memory_space<semaphore_mem>>
        %dma_start3A_82 = arith.constant 0 : i32
        %dma_start3A_83 = arith.constant 0 : i32
        %dma_start3A_84 = tpu.memref_slice %arg11[%dma_start3A_82, %dma_start3A_83] : memref<10240x128xf32, #tpu.memory_space<vmem_shared>> -> memref<10240x128xf32, #tpu.memory_space<vmem_shared>>
        tpu.enqueue_indirect_dma source(%arg9 : memref<128x128xf32, #tpu.memory_space<vmem>>) target(%dma_start3A_84 : memref<10240x128xf32, #tpu.memory_space<vmem_shared>>) offsets(%arg7 : memref<128xi32, #tpu.memory_space<vmem>>) semaphore(%run_scoped3A : memref<!tpu.dma_semaphore, #tpu.memory_space<semaphore_mem>>) {add = true}
        %dma_wait3A_85 = arith.constant 0 : i32
        %dma_wait3A_86 = arith.constant 0 : i32
        %dma_wait3A_87 = tpu.memref_slice %arg11[%dma_wait3A_85, %dma_wait3A_86] : memref<10240x128xf32, #tpu.memory_space<vmem_shared>> -> memref<10240x128xf32, #tpu.memory_space<vmem_shared>>
        tpu.wait_indirect_dma semaphore(%run_scoped3A : memref<!tpu.dma_semaphore, #tpu.memory_space<semaphore_mem>>) src(%arg9 : memref<128x128xf32, #tpu.memory_space<vmem>>) dst(%dma_wait3A_87 : memref<10240x128xf32, #tpu.memory_space<vmem_shared>>)
        tpu.yield
      }) : () -> ()
      %add3A_70 = arith.constant 2 : i32
      %add3A_71 = arith.addi %add3A_52, %add3A_70 : i32
      %lt3A_72 = arith.cmpi slt, %add3A_71, %select_n3A : i32
      %convert_element_type3A_73 = arith.extui %lt3A_72 : i1 to i32
      %cond3A_74 = arith.constant 0 : i32
      %cond3A_75 = arith.cmpi ne, %convert_element_type3A_73, %cond3A_74 : i32
      scf.if %cond3A_75 {
        %add3A_82 = arith.constant 2 : i32
        %add3A_83 = arith.addi %add3A_52, %add3A_82 : i32
        %dma_start3A_84 = arith.constant 0 : i32
        %dma_start3A_85 = tpu.memref_slice %arg6[%add3A_83, %dma_start3A_84] : memref<120x128xi32, #tpu.memory_space<vmem>> -> memref<1x128xi32, #tpu.memory_space<vmem>>
        %dma_start3A_86 = tpu.memref_squeeze %dma_start3A_85 : memref<1x128xi32, #tpu.memory_space<vmem>> -> memref<128xi32, #tpu.memory_space<vmem>>
        %dma_start3A_87 = arith.constant 0 : i32
        %dma_start3A_88 = arith.constant 0 : i32
        %dma_start3A_89 = tpu.memref_slice %arg2[%dma_start3A_87, %dma_start3A_88] : memref<10000x128xf32, #tpu.memory_space<hbm>> -> memref<10000x128xf32, #tpu.memory_space<hbm>>
        tpu.enqueue_indirect_dma source(%dma_start3A_89 : memref<10000x128xf32, #tpu.memory_space<hbm>>) target(%arg9 : memref<128x128xf32, #tpu.memory_space<vmem>>) offsets(%dma_start3A_86 : memref<128xi32, #tpu.memory_space<vmem>>) semaphore(%arg12 : memref<!tpu.dma_semaphore, #tpu.memory_space<semaphore_mem>>)
        %add3A_90 = arith.constant 2 : i32
        %add3A_91 = arith.addi %add3A_52, %add3A_90 : i32
        %dma_start3A_92 = arith.constant 0 : i32
        %dma_start3A_93 = tpu.memref_slice %arg4[%add3A, %add3A_91, %dma_start3A_92] : memref<32x120x128xi32, #tpu.memory_space<hbm>> -> memref<1x1x128xi32, #tpu.memory_space<hbm>>
        %dma_start3A_94 = tpu.memref_squeeze %dma_start3A_93 : memref<1x1x128xi32, #tpu.memory_space<hbm>> -> memref<128xi32, #tpu.memory_space<hbm>>
        %dma_start3A_95 = arith.constant 0 : i32
        %dma_start3A_96 = tpu.memref_slice %arg4[%add3A, %add3A_91, %dma_start3A_95] : memref<32x120x128xi32, #tpu.memory_space<hbm>> -> memref<1x1x128xi32, #tpu.memory_space<hbm>>
        %dma_start3A_97 = tpu.memref_squeeze %dma_start3A_96 : memref<1x1x128xi32, #tpu.memory_space<hbm>> -> memref<128xi32, #tpu.memory_space<hbm>>
        tpu.enqueue_dma source(%dma_start3A_97 : memref<128xi32, #tpu.memory_space<hbm>>) target(%arg7 : memref<128xi32, #tpu.memory_space<vmem>>) target_semaphore(%arg14 : memref<!tpu.dma_semaphore, #tpu.memory_space<semaphore_mem>>)
      } else {
      }
      %add3A_76 = arith.constant 1 : i32
      %add3A_77 = arith.addi %add3A_52, %add3A_76 : i32
      %lt3A_78 = arith.cmpi slt, %add3A_77, %select_n3A : i32
      %convert_element_type3A_79 = arith.extui %lt3A_78 : i1 to i32
      %cond3A_80 = arith.constant 0 : i32
      %cond3A_81 = arith.cmpi ne, %convert_element_type3A_79, %cond3A_80 : i32
      scf.if %cond3A_81 {
        %add3A_82 = arith.constant 1 : i32
        %add3A_83 = arith.addi %add3A_52, %add3A_82 : i32
        %dma_wait3A_84 = arith.constant 0 : i32
        %dma_wait3A_85 = tpu.memref_slice %arg6[%add3A_83, %dma_wait3A_84] : memref<120x128xi32, #tpu.memory_space<vmem>> -> memref<1x128xi32, #tpu.memory_space<vmem>>
        %dma_wait3A_86 = tpu.memref_squeeze %dma_wait3A_85 : memref<1x128xi32, #tpu.memory_space<vmem>> -> memref<128xi32, #tpu.memory_space<vmem>>
        %dma_wait3A_87 = arith.constant 0 : i32
        %dma_wait3A_88 = arith.constant 0 : i32
        %dma_wait3A_89 = tpu.memref_slice %arg2[%dma_wait3A_87, %dma_wait3A_88] : memref<10000x128xf32, #tpu.memory_space<hbm>> -> memref<10000x128xf32, #tpu.memory_space<hbm>>
        tpu.wait_indirect_dma semaphore(%arg13 : memref<!tpu.dma_semaphore, #tpu.memory_space<semaphore_mem>>) src(%dma_wait3A_89 : memref<10000x128xf32, #tpu.memory_space<hbm>>) dst(%arg10 : memref<128x128xf32, #tpu.memory_space<vmem>>)
        %add3A_90 = arith.constant 1 : i32
        %add3A_91 = arith.addi %add3A_52, %add3A_90 : i32
        %dma_wait3A_92 = arith.constant 0 : i32
        %dma_wait3A_93 = tpu.memref_slice %arg4[%add3A, %add3A_91, %dma_wait3A_92] : memref<32x120x128xi32, #tpu.memory_space<hbm>> -> memref<1x1x128xi32, #tpu.memory_space<hbm>>
        %dma_wait3A_94 = tpu.memref_squeeze %dma_wait3A_93 : memref<1x1x128xi32, #tpu.memory_space<hbm>> -> memref<128xi32, #tpu.memory_space<hbm>>
        %dma_wait3A_95 = arith.constant 0 : i32
        %dma_wait3A_96 = tpu.memref_slice %arg4[%add3A, %add3A_91, %dma_wait3A_95] : memref<32x120x128xi32, #tpu.memory_space<hbm>> -> memref<1x1x128xi32, #tpu.memory_space<hbm>>
        %dma_wait3A_97 = tpu.memref_squeeze %dma_wait3A_96 : memref<1x1x128xi32, #tpu.memory_space<hbm>> -> memref<128xi32, #tpu.memory_space<hbm>>
        tpu.wait_dma2 semaphore(%arg15 : memref<!tpu.dma_semaphore, #tpu.memory_space<semaphore_mem>>) src(%dma_wait3A_97 : memref<128xi32, #tpu.memory_space<hbm>>) dst(%arg8 : memref<128xi32, #tpu.memory_space<vmem>>)
        "tpu.region"() ({
          %run_scoped3A = tpu.sem_alloc : memref<!tpu.dma_semaphore, #tpu.memory_space<semaphore_mem>>
          %dma_start3A_98 = arith.constant 0 : i32
          %dma_start3A_99 = arith.constant 0 : i32
          %dma_start3A_100 = tpu.memref_slice %arg11[%dma_start3A_98, %dma_start3A_99] : memref<10240x128xf32, #tpu.memory_space<vmem_shared>> -> memref<10240x128xf32, #tpu.memory_space<vmem_shared>>
          tpu.enqueue_indirect_dma source(%arg10 : memref<128x128xf32, #tpu.memory_space<vmem>>) target(%dma_start3A_100 : memref<10240x128xf32, #tpu.memory_space<vmem_shared>>) offsets(%arg8 : memref<128xi32, #tpu.memory_space<vmem>>) semaphore(%run_scoped3A : memref<!tpu.dma_semaphore, #tpu.memory_space<semaphore_mem>>) {add = true}
          %dma_wait3A_101 = arith.constant 0 : i32
          %dma_wait3A_102 = arith.constant 0 : i32
          %dma_wait3A_103 = tpu.memref_slice %arg11[%dma_wait3A_101, %dma_wait3A_102] : memref<10240x128xf32, #tpu.memory_space<vmem_shared>> -> memref<10240x128xf32, #tpu.memory_space<vmem_shared>>
          tpu.wait_indirect_dma semaphore(%run_scoped3A : memref<!tpu.dma_semaphore, #tpu.memory_space<semaphore_mem>>) src(%arg10 : memref<128x128xf32, #tpu.memory_space<vmem>>) dst(%dma_wait3A_103 : memref<10240x128xf32, #tpu.memory_space<vmem_shared>>)
          tpu.yield
        }) : () -> ()
      } else {
      }
    }
    %barrier3A_44 = arith.constant 0 : index
    tpu.barrier barrier_id(%barrier3A_44)
    %scan3A_45 = arith.constant 0 : i32
    %scan3A_46 = arith.constant 5 : i32
    %scan3A_47 = arith.addi %scan3A_45, %scan3A_46 : i32
    %scan3A_48 = arith.constant 1 : i32
    scf.for %scan3A_50 = %scan3A_45 to %scan3A_47 step %scan3A_48  : i32 {
      %mul3A_51 = arith.constant 1 : i32
      %mul3A_52 = arith.muli %scan3A_50, %mul3A_51 : i32
      %add3A_53 = arith.constant 0 : i32
      %add3A_54 = arith.addi %add3A_53, %mul3A_52 : i32
      %mul3A_55 = arith.constant 640 : i32
      %mul3A_56 = arith.muli %arg1, %mul3A_55 : i32
      %mul3A_57 = arith.constant 128 : i32
      %mul3A_58 = arith.muli %add3A_54, %mul3A_57 : i32
      %add3A_59 = arith.addi %mul3A_56, %mul3A_58 : i32
      "tpu.region"() ({
        %run_scoped3A = tpu.sem_alloc : memref<!tpu.dma_semaphore, #tpu.memory_space<semaphore_mem>>
        %dma_start3A_60 = arith.constant 0 : i32
        %dma_start3A_61 = tpu.memref_slice %arg5[%arg0, %add3A_59, %dma_start3A_60] : memref<2x10240x128xf32, #tpu.memory_space<hbm>> -> memref<1x128x128xf32, #tpu.memory_space<hbm>>
        %dma_start3A_62 = tpu.memref_squeeze %dma_start3A_61 : memref<1x128x128xf32, #tpu.memory_space<hbm>> -> memref<128x128xf32, #tpu.memory_space<hbm>>
        %dma_start3A_63 = arith.constant 0 : i32
        %dma_start3A_64 = tpu.memref_slice %arg11[%add3A_59, %dma_start3A_63] : memref<10240x128xf32, #tpu.memory_space<vmem_shared>> -> memref<128x128xf32, #tpu.memory_space<vmem_shared>>
        tpu.enqueue_dma source(%dma_start3A_64 : memref<128x128xf32, #tpu.memory_space<vmem_shared>>) target(%dma_start3A_62 : memref<128x128xf32, #tpu.memory_space<hbm>>) target_semaphore(%run_scoped3A : memref<!tpu.dma_semaphore, #tpu.memory_space<semaphore_mem>>)
        %dma_wait3A_65 = arith.constant 0 : i32
        %dma_wait3A_66 = tpu.memref_slice %arg5[%arg0, %add3A_59, %dma_wait3A_65] : memref<2x10240x128xf32, #tpu.memory_space<hbm>> -> memref<1x128x128xf32, #tpu.memory_space<hbm>>
        %dma_wait3A_67 = tpu.memref_squeeze %dma_wait3A_66 : memref<1x128x128xf32, #tpu.memory_space<hbm>> -> memref<128x128xf32, #tpu.memory_space<hbm>>
        %dma_wait3A_68 = arith.constant 0 : i32
        %dma_wait3A_69 = tpu.memref_slice %arg11[%add3A_59, %dma_wait3A_68] : memref<10240x128xf32, #tpu.memory_space<vmem_shared>> -> memref<128x128xf32, #tpu.memory_space<vmem_shared>>
        tpu.wait_dma2 semaphore(%run_scoped3A : memref<!tpu.dma_semaphore, #tpu.memory_space<semaphore_mem>>) src(%dma_wait3A_69 : memref<128x128xf32, #tpu.memory_space<vmem_shared>>) dst(%dma_wait3A_67 : memref<128x128xf32, #tpu.memory_space<hbm>>)
        tpu.yield
      }) : () -> ()
    }
    %scan3A_49 = arith.constant 5 : i32
    return
  }
}

#map = affine_map<(d0, d1) -> (0, 0)>
#map1 = affine_map<(d0, d1) -> (0, 0, 0)>
module attributes {stable_mosaic.version = 14 : i64} {
  func.func @k(%arg0: i32, %arg1: i32, %arg2: memref<10000x128xf32, #tpu.memory_space<hbm>>, %arg3: memref<32x120x128xi32, #tpu.memory_space<hbm>>, %arg4: memref<32x120x128xi32, #tpu.memory_space<hbm>>, %arg5: memref<2x10240x128xf32, #tpu.memory_space<hbm>>, %arg6: memref<120x128xi32, #tpu.memory_space<vmem>>, %arg7: memref<128xi32, #tpu.memory_space<vmem>>, %arg8: memref<128xi32, #tpu.memory_space<vmem>>, %arg9: memref<128x128xf32, #tpu.memory_space<vmem>>, %arg10: memref<128x128xf32, #tpu.memory_space<vmem>>, %arg11: memref<10240x128xf32, #tpu.memory_space<vmem_shared>>, %arg12: memref<!tpu.dma_semaphore, #tpu.memory_space<semaphore_mem>>, %arg13: memref<!tpu.dma_semaphore, #tpu.memory_space<semaphore_mem>>, %arg14: memref<!tpu.dma_semaphore, #tpu.memory_space<semaphore_mem>>, %arg15: memref<!tpu.dma_semaphore, #tpu.memory_space<semaphore_mem>>) attributes {dimension_semantics = [#tpu.dimension_semantics<core_parallel>, #tpu.dimension_semantics<subcore_parallel>], iteration_bounds = array<i64: 2, 16>, scalar_prefetch = 0 : i64, scratch_operands = 10 : i64, tpu.core_type = #tpu.core_type<sc_vector_subcore>, window_params = [{transform_indices = #map}, {transform_indices = #map1}, {transform_indices = #map1}, {transform_indices = #map1}]} {
    %mul3A = arith.constant 2 : i32
    %mul3A_0 = arith.muli %arg1, %mul3A : i32
    %add3A = arith.addi %mul3A_0, %arg0 : i32
    %eq3A = arith.constant 0 : i32
    %eq3A_1 = arith.cmpi eq, %arg0, %eq3A : i32
    %jit3A = arith.constant 120 : i32
    %jit3A_2 = arith.constant 38 : i32
    %select_n3A = arith.select %eq3A_1, %jit3A, %jit3A_2 : i32
    %dma_start3A = arith.constant 0 : i32
    %dma_start3A_3 = arith.constant 0 : i32
    %dma_start3A_4 = tpu.memref_slice %arg3[%add3A, %dma_start3A, %dma_start3A_3] : memref<32x120x128xi32, #tpu.memory_space<hbm>> -> memref<1x120x128xi32, #tpu.memory_space<hbm>>
    %dma_start3A_5 = tpu.memref_squeeze %dma_start3A_4 : memref<1x120x128xi32, #tpu.memory_space<hbm>> -> memref<120x128xi32, #tpu.memory_space<hbm>>
    %dma_start3A_6 = arith.constant 0 : i32
    %dma_start3A_7 = arith.constant 0 : i32
    %dma_start3A_8 = tpu.memref_slice %arg3[%add3A, %dma_start3A_6, %dma_start3A_7] : memref<32x120x128xi32, #tpu.memory_space<hbm>> -> memref<1x120x128xi32, #tpu.memory_space<hbm>>
    %dma_start3A_9 = tpu.memref_squeeze %dma_start3A_8 : memref<1x120x128xi32, #tpu.memory_space<hbm>> -> memref<120x128xi32, #tpu.memory_space<hbm>>
    tpu.enqueue_dma source(%dma_start3A_9 : memref<120x128xi32, #tpu.memory_space<hbm>>) target(%arg6 : memref<120x128xi32, #tpu.memory_space<vmem>>) target_semaphore(%arg14 : memref<!tpu.dma_semaphore, #tpu.memory_space<semaphore_mem>>)
    %scan3A = arith.constant 0 : i32
    %scan3A_10 = arith.constant 128 : i32
    %scan3A_11 = arith.addi %scan3A, %scan3A_10 : i32
    %scan3A_12 = arith.constant 1 : i32
    scf.for %scan3A_50 = %scan3A to %scan3A_11 step %scan3A_12  : i32 {
      %mul3A_51 = arith.constant 1 : i32
      %mul3A_52 = arith.muli %scan3A_50, %mul3A_51 : i32
      %add3A_53 = arith.constant 0 : i32
      %add3A_54 = arith.addi %add3A_53, %mul3A_52 : i32
      %broadcast_in_dim3A = arith.constant 0.000000e+00 : f32
      %broadcast_in_dim3A_55 = vector.broadcast %broadcast_in_dim3A : f32 to vector<16xf32>
      %swap3A = arith.index_cast %add3A_54 : i32 to index
      %swap3A_56 = arith.constant 0 : index
      %swap3A_57 = tpu.vector_load %arg9[%swap3A, %swap3A_56] {strides = array<i32>} : memref<128x128xf32, #tpu.memory_space<vmem>>, vector<1x16xf32>,
      %swap3A_58 = vector.shape_cast %swap3A_57 : vector<1x16xf32> to vector<16xf32>
      %swap3A_59 = vector.shape_cast %broadcast_in_dim3A_55 : vector<16xf32> to vector<1x16xf32>
      tpu.vector_store %arg9[%swap3A, %swap3A_56], %swap3A_59 {strides = array<i32>} : memref<128x128xf32, #tpu.memory_space<vmem>>, vector<1x16xf32>,
      %broadcast_in_dim3A_60 = arith.constant 0.000000e+00 : f32
      %broadcast_in_dim3A_61 = vector.broadcast %broadcast_in_dim3A_60 : f32 to vector<16xf32>
      %swap3A_62 = arith.index_cast %add3A_54 : i32 to index
      %swap3A_63 = arith.constant 16 : index
      %swap3A_64 = tpu.vector_load %arg9[%swap3A_62, %swap3A_63] {strides = array<i32>} : memref<128x128xf32, #tpu.memory_space<vmem>>, vector<1x16xf32>,
      %swap3A_65 = vector.shape_cast %swap3A_64 : vector<1x16xf32> to vector<16xf32>
      %swap3A_66 = vector.shape_cast %broadcast_in_dim3A_61 : vector<16xf32> to vector<1x16xf32>
      tpu.vector_store %arg9[%swap3A_62, %swap3A_63], %swap3A_66 {strides = array<i32>} : memref<128x128xf32, #tpu.memory_space<vmem>>, vector<1x16xf32>,
      %broadcast_in_dim3A_67 = arith.constant 0.000000e+00 : f32
      %broadcast_in_dim3A_68 = vector.broadcast %broadcast_in_dim3A_67 : f32 to vector<16xf32>
      %swap3A_69 = arith.index_cast %add3A_54 : i32 to index
      %swap3A_70 = arith.constant 32 : index
      %swap3A_71 = tpu.vector_load %arg9[%swap3A_69, %swap3A_70] {strides = array<i32>} : memref<128x128xf32, #tpu.memory_space<vmem>>, vector<1x16xf32>,
      %swap3A_72 = vector.shape_cast %swap3A_71 : vector<1x16xf32> to vector<16xf32>
      %swap3A_73 = vector.shape_cast %broadcast_in_dim3A_68 : vector<16xf32> to vector<1x16xf32>
      tpu.vector_store %arg9[%swap3A_69, %swap3A_70], %swap3A_73 {strides = array<i32>} : memref<128x128xf32, #tpu.memory_space<vmem>>, vector<1x16xf32>,
      %broadcast_in_dim3A_74 = arith.constant 0.000000e+00 : f32
      %broadcast_in_dim3A_75 = vector.broadcast %broadcast_in_dim3A_74 : f32 to vector<16xf32>
      %swap3A_76 = arith.index_cast %add3A_54 : i32 to index
      %swap3A_77 = arith.constant 48 : index
      %swap3A_78 = tpu.vector_load %arg9[%swap3A_76, %swap3A_77] {strides = array<i32>} : memref<128x128xf32, #tpu.memory_space<vmem>>, vector<1x16xf32>,
      %swap3A_79 = vector.shape_cast %swap3A_78 : vector<1x16xf32> to vector<16xf32>
      %swap3A_80 = vector.shape_cast %broadcast_in_dim3A_75 : vector<16xf32> to vector<1x16xf32>
      tpu.vector_store %arg9[%swap3A_76, %swap3A_77], %swap3A_80 {strides = array<i32>} : memref<128x128xf32, #tpu.memory_space<vmem>>, vector<1x16xf32>,
      %broadcast_in_dim3A_81 = arith.constant 0.000000e+00 : f32
      %broadcast_in_dim3A_82 = vector.broadcast %broadcast_in_dim3A_81 : f32 to vector<16xf32>
      %swap3A_83 = arith.index_cast %add3A_54 : i32 to index
      %swap3A_84 = arith.constant 64 : index
      %swap3A_85 = tpu.vector_load %arg9[%swap3A_83, %swap3A_84] {strides = array<i32>} : memref<128x128xf32, #tpu.memory_space<vmem>>, vector<1x16xf32>,
      %swap3A_86 = vector.shape_cast %swap3A_85 : vector<1x16xf32> to vector<16xf32>
      %swap3A_87 = vector.shape_cast %broadcast_in_dim3A_82 : vector<16xf32> to vector<1x16xf32>
      tpu.vector_store %arg9[%swap3A_83, %swap3A_84], %swap3A_87 {strides = array<i32>} : memref<128x128xf32, #tpu.memory_space<vmem>>, vector<1x16xf32>,
      %broadcast_in_dim3A_88 = arith.constant 0.000000e+00 : f32
      %broadcast_in_dim3A_89 = vector.broadcast %broadcast_in_dim3A_88 : f32 to vector<16xf32>
      %swap3A_90 = arith.index_cast %add3A_54 : i32 to index
      %swap3A_91 = arith.constant 80 : index
      %swap3A_92 = tpu.vector_load %arg9[%swap3A_90, %swap3A_91] {strides = array<i32>} : memref<128x128xf32, #tpu.memory_space<vmem>>, vector<1x16xf32>,
      %swap3A_93 = vector.shape_cast %swap3A_92 : vector<1x16xf32> to vector<16xf32>
      %swap3A_94 = vector.shape_cast %broadcast_in_dim3A_89 : vector<16xf32> to vector<1x16xf32>
      tpu.vector_store %arg9[%swap3A_90, %swap3A_91], %swap3A_94 {strides = array<i32>} : memref<128x128xf32, #tpu.memory_space<vmem>>, vector<1x16xf32>,
      %broadcast_in_dim3A_95 = arith.constant 0.000000e+00 : f32
      %broadcast_in_dim3A_96 = vector.broadcast %broadcast_in_dim3A_95 : f32 to vector<16xf32>
      %swap3A_97 = arith.index_cast %add3A_54 : i32 to index
      %swap3A_98 = arith.constant 96 : index
      %swap3A_99 = tpu.vector_load %arg9[%swap3A_97, %swap3A_98] {strides = array<i32>} : memref<128x128xf32, #tpu.memory_space<vmem>>, vector<1x16xf32>,
      %swap3A_100 = vector.shape_cast %swap3A_99 : vector<1x16xf32> to vector<16xf32>
      %swap3A_101 = vector.shape_cast %broadcast_in_dim3A_96 : vector<16xf32> to vector<1x16xf32>
      tpu.vector_store %arg9[%swap3A_97, %swap3A_98], %swap3A_101 {strides = array<i32>} : memref<128x128xf32, #tpu.memory_space<vmem>>, vector<1x16xf32>,
      %broadcast_in_dim3A_102 = arith.constant 0.000000e+00 : f32
      %broadcast_in_dim3A_103 = vector.broadcast %broadcast_in_dim3A_102 : f32 to vector<16xf32>
      %swap3A_104 = arith.index_cast %add3A_54 : i32 to index
      %swap3A_105 = arith.constant 112 : index
      %swap3A_106 = tpu.vector_load %arg9[%swap3A_104, %swap3A_105] {strides = array<i32>} : memref<128x128xf32, #tpu.memory_space<vmem>>, vector<1x16xf32>,
      %swap3A_107 = vector.shape_cast %swap3A_106 : vector<1x16xf32> to vector<16xf32>
      %swap3A_108 = vector.shape_cast %broadcast_in_dim3A_103 : vector<16xf32> to vector<1x16xf32>
      tpu.vector_store %arg9[%swap3A_104, %swap3A_105], %swap3A_108 {strides = array<i32>} : memref<128x128xf32, #tpu.memory_space<vmem>>, vector<1x16xf32>,
    }
    %scan3A_13 = arith.constant 128 : i32
    %scan3A_14 = arith.constant 0 : i32
    %scan3A_15 = arith.constant 5 : i32
    %scan3A_16 = arith.addi %scan3A_14, %scan3A_15 : i32
    %scan3A_17 = arith.constant 1 : i32
    scf.for %scan3A_50 = %scan3A_14 to %scan3A_16 step %scan3A_17  : i32 {
      %mul3A_51 = arith.constant 1 : i32
      %mul3A_52 = arith.muli %scan3A_50, %mul3A_51 : i32
      %add3A_53 = arith.constant 0 : i32
      %add3A_54 = arith.addi %add3A_53, %mul3A_52 : i32
      %mul3A_55 = arith.constant 640 : i32
      %mul3A_56 = arith.muli %arg1, %mul3A_55 : i32
      %mul3A_57 = arith.constant 128 : i32
      %mul3A_58 = arith.muli %add3A_54, %mul3A_57 : i32
      %add3A_59 = arith.addi %mul3A_56, %mul3A_58 : i32
      "tpu.region"() ({
        %run_scoped3A = tpu.sem_alloc : memref<!tpu.dma_semaphore, #tpu.memory_space<semaphore_mem>>
        %dma_start3A_60 = arith.constant 0 : i32
        %dma_start3A_61 = tpu.memref_slice %arg11[%add3A_59, %dma_start3A_60] : memref<10240x128xf32, #tpu.memory_space<vmem_shared>> -> memref<128x128xf32, #tpu.memory_space<vmem_shared>>
        %dma_start3A_62 = arith.constant 0 : i32
        %dma_start3A_63 = tpu.memref_slice %arg11[%add3A_59, %dma_start3A_62] : memref<10240x128xf32, #tpu.memory_space<vmem_shared>> -> memref<128x128xf32, #tpu.memory_space<vmem_shared>>
        tpu.enqueue_dma source(%arg9 : memref<128x128xf32, #tpu.memory_space<vmem>>) target(%dma_start3A_63 : memref<128x128xf32, #tpu.memory_space<vmem_shared>>) target_semaphore(%run_scoped3A : memref<!tpu.dma_semaphore, #tpu.memory_space<semaphore_mem>>)
        %dma_wait3A_64 = arith.constant 0 : i32
        %dma_wait3A_65 = tpu.memref_slice %arg11[%add3A_59, %dma_wait3A_64] : memref<10240x128xf32, #tpu.memory_space<vmem_shared>> -> memref<128x128xf32, #tpu.memory_space<vmem_shared>>
        %dma_wait3A_66 = arith.constant 0 : i32
        %dma_wait3A_67 = tpu.memref_slice %arg11[%add3A_59, %dma_wait3A_66] : memref<10240x128xf32, #tpu.memory_space<vmem_shared>> -> memref<128x128xf32, #tpu.memory_space<vmem_shared>>
        tpu.wait_dma2 semaphore(%run_scoped3A : memref<!tpu.dma_semaphore, #tpu.memory_space<semaphore_mem>>) src(%arg9 : memref<128x128xf32, #tpu.memory_space<vmem>>) dst(%dma_wait3A_67 : memref<128x128xf32, #tpu.memory_space<vmem_shared>>)
        tpu.yield
      }) : () -> ()
    }
    %scan3A_18 = arith.constant 5 : i32
    %dma_wait3A = arith.constant 0 : i32
    %dma_wait3A_19 = arith.constant 0 : i32
    %dma_wait3A_20 = tpu.memref_slice %arg3[%add3A, %dma_wait3A, %dma_wait3A_19] : memref<32x120x128xi32, #tpu.memory_space<hbm>> -> memref<1x120x128xi32, #tpu.memory_space<hbm>>
    %dma_wait3A_21 = tpu.memref_squeeze %dma_wait3A_20 : memref<1x120x128xi32, #tpu.memory_space<hbm>> -> memref<120x128xi32, #tpu.memory_space<hbm>>
    %dma_wait3A_22 = arith.constant 0 : i32
    %dma_wait3A_23 = arith.constant 0 : i32
    %dma_wait3A_24 = tpu.memref_slice %arg3[%add3A, %dma_wait3A_22, %dma_wait3A_23] : memref<32x120x128xi32, #tpu.memory_space<hbm>> -> memref<1x120x128xi32, #tpu.memory_space<hbm>>
    %dma_wait3A_25 = tpu.memref_squeeze %dma_wait3A_24 : memref<1x120x128xi32, #tpu.memory_space<hbm>> -> memref<120x128xi32, #tpu.memory_space<hbm>>
    tpu.wait_dma2 semaphore(%arg14 : memref<!tpu.dma_semaphore, #tpu.memory_space<semaphore_mem>>) src(%dma_wait3A_25 : memref<120x128xi32, #tpu.memory_space<hbm>>) dst(%arg6 : memref<120x128xi32, #tpu.memory_space<vmem>>)
    %barrier3A = arith.constant 0 : index
    tpu.barrier barrier_id(%barrier3A)
    %gt3A = arith.constant 0 : i32
    %gt3A_26 = arith.cmpi sgt, %select_n3A, %gt3A : i32
    %convert_element_type3A = arith.extui %gt3A_26 : i1 to i32
    %cond3A = arith.constant 0 : i32
    %cond3A_27 = arith.cmpi ne, %convert_element_type3A, %cond3A : i32
    scf.if %cond3A_27 {
      %dma_start3A_50 = arith.constant 0 : i32
      %dma_start3A_51 = arith.constant 0 : i32
      %dma_start3A_52 = tpu.memref_slice %arg6[%dma_start3A_50, %dma_start3A_51] : memref<120x128xi32, #tpu.memory_space<vmem>> -> memref<1x128xi32, #tpu.memory_space<vmem>>
      %dma_start3A_53 = tpu.memref_squeeze %dma_start3A_52 : memref<1x128xi32, #tpu.memory_space<vmem>> -> memref<128xi32, #tpu.memory_space<vmem>>
      %dma_start3A_54 = arith.constant 0 : i32
      %dma_start3A_55 = arith.constant 0 : i32
      %dma_start3A_56 = tpu.memref_slice %arg2[%dma_start3A_54, %dma_start3A_55] : memref<10000x128xf32, #tpu.memory_space<hbm>> -> memref<10000x128xf32, #tpu.memory_space<hbm>>
      tpu.enqueue_indirect_dma source(%dma_start3A_56 : memref<10000x128xf32, #tpu.memory_space<hbm>>) target(%arg9 : memref<128x128xf32, #tpu.memory_space<vmem>>) offsets(%dma_start3A_53 : memref<128xi32, #tpu.memory_space<vmem>>) semaphore(%arg12 : memref<!tpu.dma_semaphore, #tpu.memory_space<semaphore_mem>>)
      %dma_start3A_57 = arith.constant 0 : i32
      %dma_start3A_58 = arith.constant 0 : i32
      %dma_start3A_59 = tpu.memref_slice %arg4[%add3A, %dma_start3A_57, %dma_start3A_58] : memref<32x120x128xi32, #tpu.memory_space<hbm>> -> memref<1x1x128xi32, #tpu.memory_space<hbm>>
      %dma_start3A_60 = tpu.memref_squeeze %dma_start3A_59 : memref<1x1x128xi32, #tpu.memory_space<hbm>> -> memref<128xi32, #tpu.memory_space<hbm>>
      %dma_start3A_61 = arith.constant 0 : i32
      %dma_start3A_62 = tpu.memref_slice %arg4[%add3A, %dma_start3A_57, %dma_start3A_61] : memref<32x120x128xi32, #tpu.memory_space<hbm>> -> memref<1x1x128xi32, #tpu.memory_space<hbm>>
      %dma_start3A_63 = tpu.memref_squeeze %dma_start3A_62 : memref<1x1x128xi32, #tpu.memory_space<hbm>> -> memref<128xi32, #tpu.memory_space<hbm>>
      tpu.enqueue_dma source(%dma_start3A_63 : memref<128xi32, #tpu.memory_space<hbm>>) target(%arg7 : memref<128xi32, #tpu.memory_space<vmem>>) target_semaphore(%arg14 : memref<!tpu.dma_semaphore, #tpu.memory_space<semaphore_mem>>)
    } else {
    }
    %sub3A = arith.constant 0 : i32
    %sub3A_28 = arith.subi %select_n3A, %sub3A : i32
    %sub3A_29 = arith.constant 2 : i32
    %sub3A_30 = arith.constant 1 : i32
    %sub3A_31 = arith.subi %sub3A_29, %sub3A_30 : i32
    %add3A_32 = arith.addi %sub3A_28, %sub3A_31 : i32
    %div3A = arith.constant 2 : i32
    %div3A_33 = arith.divsi %add3A_32, %div3A : i32
    %while3A = arith.constant 2 : i32
    %while3A_34 = arith.constant 0 : i32
    %while3A_35 = arith.constant 0 : i32
    %while3A_36 = arith.subi %div3A_33, %while3A_35 : i32
    %while3A_37 = arith.addi %while3A_35, %while3A_36 : i32
    %while3A_38 = arith.constant 1 : i32
    %while3A_39 = arith.divsi %while3A_36, %while3A_38 : i32
    %while3A_40 = arith.muli %while3A_39, %while3A_38 : i32
    %while3A_41 = arith.addi %while3A_35, %while3A_40 : i32
    %while3A_42 = arith.constant 1 : i32
    scf.for %while3A_50 = %while3A_35 to %while3A_41 step %while3A_42  : i32 {
      %mul3A_51 = arith.muli %while3A_50, %while3A : i32
      %add3A_52 = arith.addi %while3A_34, %mul3A_51 : i32
      %add3A_53 = arith.constant 1 : i32
      %add3A_54 = arith.addi %add3A_52, %add3A_53 : i32
      %lt3A = arith.cmpi slt, %add3A_54, %select_n3A : i32
      %convert_element_type3A_55 = arith.extui %lt3A : i1 to i32
      %cond3A_56 = arith.constant 0 : i32
      %cond3A_57 = arith.cmpi ne, %convert_element_type3A_55, %cond3A_56 : i32
      scf.if %cond3A_57 {
        %add3A_82 = arith.constant 1 : i32
        %add3A_83 = arith.addi %add3A_52, %add3A_82 : i32
        %dma_start3A_84 = arith.constant 0 : i32
        %dma_start3A_85 = tpu.memref_slice %arg6[%add3A_83, %dma_start3A_84] : memref<120x128xi32, #tpu.memory_space<vmem>> -> memref<1x128xi32, #tpu.memory_space<vmem>>
        %dma_start3A_86 = tpu.memref_squeeze %dma_start3A_85 : memref<1x128xi32, #tpu.memory_space<vmem>> -> memref<128xi32, #tpu.memory_space<vmem>>
        %dma_start3A_87 = arith.constant 0 : i32
        %dma_start3A_88 = arith.constant 0 : i32
        %dma_start3A_89 = tpu.memref_slice %arg2[%dma_start3A_87, %dma_start3A_88] : memref<10000x128xf32, #tpu.memory_space<hbm>> -> memref<10000x128xf32, #tpu.memory_space<hbm>>
        tpu.enqueue_indirect_dma source(%dma_start3A_89 : memref<10000x128xf32, #tpu.memory_space<hbm>>) target(%arg10 : memref<128x128xf32, #tpu.memory_space<vmem>>) offsets(%dma_start3A_86 : memref<128xi32, #tpu.memory_space<vmem>>) semaphore(%arg13 : memref<!tpu.dma_semaphore, #tpu.memory_space<semaphore_mem>>)
        %add3A_90 = arith.constant 1 : i32
        %add3A_91 = arith.addi %add3A_52, %add3A_90 : i32
        %dma_start3A_92 = arith.constant 0 : i32
        %dma_start3A_93 = tpu.memref_slice %arg4[%add3A, %add3A_91, %dma_start3A_92] : memref<32x120x128xi32, #tpu.memory_space<hbm>> -> memref<1x1x128xi32, #tpu.memory_space<hbm>>
        %dma_start3A_94 = tpu.memref_squeeze %dma_start3A_93 : memref<1x1x128xi32, #tpu.memory_space<hbm>> -> memref<128xi32, #tpu.memory_space<hbm>>
        %dma_start3A_95 = arith.constant 0 : i32
        %dma_start3A_96 = tpu.memref_slice %arg4[%add3A, %add3A_91, %dma_start3A_95] : memref<32x120x128xi32, #tpu.memory_space<hbm>> -> memref<1x1x128xi32, #tpu.memory_space<hbm>>
        %dma_start3A_97 = tpu.memref_squeeze %dma_start3A_96 : memref<1x1x128xi32, #tpu.memory_space<hbm>> -> memref<128xi32, #tpu.memory_space<hbm>>
        tpu.enqueue_dma source(%dma_start3A_97 : memref<128xi32, #tpu.memory_space<hbm>>) target(%arg8 : memref<128xi32, #tpu.memory_space<vmem>>) target_semaphore(%arg15 : memref<!tpu.dma_semaphore, #tpu.memory_space<semaphore_mem>>)
      } else {
      }
      %dma_wait3A_58 = arith.constant 0 : i32
      %dma_wait3A_59 = tpu.memref_slice %arg6[%add3A_52, %dma_wait3A_58] : memref<120x128xi32, #tpu.memory_space<vmem>> -> memref<1x128xi32, #tpu.memory_space<vmem>>
      %dma_wait3A_60 = tpu.memref_squeeze %dma_wait3A_59 : memref<1x128xi32, #tpu.memory_space<vmem>> -> memref<128xi32, #tpu.memory_space<vmem>>
      %dma_wait3A_61 = arith.constant 0 : i32
      %dma_wait3A_62 = arith.constant 0 : i32
      %dma_wait3A_63 = tpu.memref_slice %arg2[%dma_wait3A_61, %dma_wait3A_62] : memref<10000x128xf32, #tpu.memory_space<hbm>> -> memref<10000x128xf32, #tpu.memory_space<hbm>>
      tpu.wait_indirect_dma semaphore(%arg12 : memref<!tpu.dma_semaphore, #tpu.memory_space<semaphore_mem>>) src(%dma_wait3A_63 : memref<10000x128xf32, #tpu.memory_space<hbm>>) dst(%arg9 : memref<128x128xf32, #tpu.memory_space<vmem>>)
      %dma_wait3A_64 = arith.constant 0 : i32
      %dma_wait3A_65 = tpu.memref_slice %arg4[%add3A, %add3A_52, %dma_wait3A_64] : memref<32x120x128xi32, #tpu.memory_space<hbm>> -> memref<1x1x128xi32, #tpu.memory_space<hbm>>
      %dma_wait3A_66 = tpu.memref_squeeze %dma_wait3A_65 : memref<1x1x128xi32, #tpu.memory_space<hbm>> -> memref<128xi32, #tpu.memory_space<hbm>>
      %dma_wait3A_67 = arith.constant 0 : i32
      %dma_wait3A_68 = tpu.memref_slice %arg4[%add3A, %add3A_52, %dma_wait3A_67] : memref<32x120x128xi32, #tpu.memory_space<hbm>> -> memref<1x1x128xi32, #tpu.memory_space<hbm>>
      %dma_wait3A_69 = tpu.memref_squeeze %dma_wait3A_68 : memref<1x1x128xi32, #tpu.memory_space<hbm>> -> memref<128xi32, #tpu.memory_space<hbm>>
      tpu.wait_dma2 semaphore(%arg14 : memref<!tpu.dma_semaphore, #tpu.memory_space<semaphore_mem>>) src(%dma_wait3A_69 : memref<128xi32, #tpu.memory_space<hbm>>) dst(%arg7 : memref<128xi32, #tpu.memory_space<vmem>>)
      "tpu.region"() ({
        %run_scoped3A = tpu.sem_alloc : memref<!tpu.dma_semaphore, #tpu.memory_space<semaphore_mem>>
        %dma_start3A_82 = arith.constant 0 : i32
        %dma_start3A_83 = arith.constant 0 : i32
        %dma_start3A_84 = tpu.memref_slice %arg11[%dma_start3A_82, %dma_start3A_83] : memref<10240x128xf32, #tpu.memory_space<vmem_shared>> -> memref<10240x128xf32, #tpu.memory_space<vmem_shared>>
        tpu.enqueue_indirect_dma source(%arg9 : memref<128x128xf32, #tpu.memory_space<vmem>>) target(%dma_start3A_84 : memref<10240x128xf32, #tpu.memory_space<vmem_shared>>) offsets(%arg7 : memref<128xi32, #tpu.memory_space<vmem>>) semaphore(%run_scoped3A : memref<!tpu.dma_semaphore, #tpu.memory_space<semaphore_mem>>) {add = true}
        %dma_wait3A_85 = arith.constant 0 : i32
        %dma_wait3A_86 = arith.constant 0 : i32
        %dma_wait3A_87 = tpu.memref_slice %arg11[%dma_wait3A_85, %dma_wait3A_86] : memref<10240x128xf32, #tpu.memory_space<vmem_shared>> -> memref<10240x128xf32, #tpu.memory_space<vmem_shared>>
        tpu.wait_indirect_dma semaphore(%run_scoped3A : memref<!tpu.dma_semaphore, #tpu.memory_space<semaphore_mem>>) src(%arg9 : memref<128x128xf32, #tpu.memory_space<vmem>>) dst(%dma_wait3A_87 : memref<10240x128xf32, #tpu.memory_space<vmem_shared>>)
        tpu.yield
      }) : () -> ()
      %add3A_70 = arith.constant 2 : i32
      %add3A_71 = arith.addi %add3A_52, %add3A_70 : i32
      %lt3A_72 = arith.cmpi slt, %add3A_71, %select_n3A : i32
      %convert_element_type3A_73 = arith.extui %lt3A_72 : i1 to i32
      %cond3A_74 = arith.constant 0 : i32
      %cond3A_75 = arith.cmpi ne, %convert_element_type3A_73, %cond3A_74 : i32
      scf.if %cond3A_75 {
        %add3A_82 = arith.constant 2 : i32
        %add3A_83 = arith.addi %add3A_52, %add3A_82 : i32
        %dma_start3A_84 = arith.constant 0 : i32
        %dma_start3A_85 = tpu.memref_slice %arg6[%add3A_83, %dma_start3A_84] : memref<120x128xi32, #tpu.memory_space<vmem>> -> memref<1x128xi32, #tpu.memory_space<vmem>>
        %dma_start3A_86 = tpu.memref_squeeze %dma_start3A_85 : memref<1x128xi32, #tpu.memory_space<vmem>> -> memref<128xi32, #tpu.memory_space<vmem>>
        %dma_start3A_87 = arith.constant 0 : i32
        %dma_start3A_88 = arith.constant 0 : i32
        %dma_start3A_89 = tpu.memref_slice %arg2[%dma_start3A_87, %dma_start3A_88] : memref<10000x128xf32, #tpu.memory_space<hbm>> -> memref<10000x128xf32, #tpu.memory_space<hbm>>
        tpu.enqueue_indirect_dma source(%dma_start3A_89 : memref<10000x128xf32, #tpu.memory_space<hbm>>) target(%arg9 : memref<128x128xf32, #tpu.memory_space<vmem>>) offsets(%dma_start3A_86 : memref<128xi32, #tpu.memory_space<vmem>>) semaphore(%arg12 : memref<!tpu.dma_semaphore, #tpu.memory_space<semaphore_mem>>)
        %add3A_90 = arith.constant 2 : i32
        %add3A_91 = arith.addi %add3A_52, %add3A_90 : i32
        %dma_start3A_92 = arith.constant 0 : i32
        %dma_start3A_93 = tpu.memref_slice %arg4[%add3A, %add3A_91, %dma_start3A_92] : memref<32x120x128xi32, #tpu.memory_space<hbm>> -> memref<1x1x128xi32, #tpu.memory_space<hbm>>
        %dma_start3A_94 = tpu.memref_squeeze %dma_start3A_93 : memref<1x1x128xi32, #tpu.memory_space<hbm>> -> memref<128xi32, #tpu.memory_space<hbm>>
        %dma_start3A_95 = arith.constant 0 : i32
        %dma_start3A_96 = tpu.memref_slice %arg4[%add3A, %add3A_91, %dma_start3A_95] : memref<32x120x128xi32, #tpu.memory_space<hbm>> -> memref<1x1x128xi32, #tpu.memory_space<hbm>>
        %dma_start3A_97 = tpu.memref_squeeze %dma_start3A_96 : memref<1x1x128xi32, #tpu.memory_space<hbm>> -> memref<128xi32, #tpu.memory_space<hbm>>
        tpu.enqueue_dma source(%dma_start3A_97 : memref<128xi32, #tpu.memory_space<hbm>>) target(%arg7 : memref<128xi32, #tpu.memory_space<vmem>>) target_semaphore(%arg14 : memref<!tpu.dma_semaphore, #tpu.memory_space<semaphore_mem>>)
      } else {
      }
      %add3A_76 = arith.constant 1 : i32
      %add3A_77 = arith.addi %add3A_52, %add3A_76 : i32
      %lt3A_78 = arith.cmpi slt, %add3A_77, %select_n3A : i32
      %convert_element_type3A_79 = arith.extui %lt3A_78 : i1 to i32
      %cond3A_80 = arith.constant 0 : i32
      %cond3A_81 = arith.cmpi ne, %convert_element_type3A_79, %cond3A_80 : i32
      scf.if %cond3A_81 {
        %add3A_82 = arith.constant 1 : i32
        %add3A_83 = arith.addi %add3A_52, %add3A_82 : i32
        %dma_wait3A_84 = arith.constant 0 : i32
        %dma_wait3A_85 = tpu.memref_slice %arg6[%add3A_83, %dma_wait3A_84] : memref<120x128xi32, #tpu.memory_space<vmem>> -> memref<1x128xi32, #tpu.memory_space<vmem>>
        %dma_wait3A_86 = tpu.memref_squeeze %dma_wait3A_85 : memref<1x128xi32, #tpu.memory_space<vmem>> -> memref<128xi32, #tpu.memory_space<vmem>>
        %dma_wait3A_87 = arith.constant 0 : i32
        %dma_wait3A_88 = arith.constant 0 : i32
        %dma_wait3A_89 = tpu.memref_slice %arg2[%dma_wait3A_87, %dma_wait3A_88] : memref<10000x128xf32, #tpu.memory_space<hbm>> -> memref<10000x128xf32, #tpu.memory_space<hbm>>
        tpu.wait_indirect_dma semaphore(%arg13 : memref<!tpu.dma_semaphore, #tpu.memory_space<semaphore_mem>>) src(%dma_wait3A_89 : memref<10000x128xf32, #tpu.memory_space<hbm>>) dst(%arg10 : memref<128x128xf32, #tpu.memory_space<vmem>>)
        %add3A_90 = arith.constant 1 : i32
        %add3A_91 = arith.addi %add3A_52, %add3A_90 : i32
        %dma_wait3A_92 = arith.constant 0 : i32
        %dma_wait3A_93 = tpu.memref_slice %arg4[%add3A, %add3A_91, %dma_wait3A_92] : memref<32x120x128xi32, #tpu.memory_space<hbm>> -> memref<1x1x128xi32, #tpu.memory_space<hbm>>
        %dma_wait3A_94 = tpu.memref_squeeze %dma_wait3A_93 : memref<1x1x128xi32, #tpu.memory_space<hbm>> -> memref<128xi32, #tpu.memory_space<hbm>>
        %dma_wait3A_95 = arith.constant 0 : i32
        %dma_wait3A_96 = tpu.memref_slice %arg4[%add3A, %add3A_91, %dma_wait3A_95] : memref<32x120x128xi32, #tpu.memory_space<hbm>> -> memref<1x1x128xi32, #tpu.memory_space<hbm>>
        %dma_wait3A_97 = tpu.memref_squeeze %dma_wait3A_96 : memref<1x1x128xi32, #tpu.memory_space<hbm>> -> memref<128xi32, #tpu.memory_space<hbm>>
        tpu.wait_dma2 semaphore(%arg15 : memref<!tpu.dma_semaphore, #tpu.memory_space<semaphore_mem>>) src(%dma_wait3A_97 : memref<128xi32, #tpu.memory_space<hbm>>) dst(%arg8 : memref<128xi32, #tpu.memory_space<vmem>>)
        "tpu.region"() ({
          %run_scoped3A = tpu.sem_alloc : memref<!tpu.dma_semaphore, #tpu.memory_space<semaphore_mem>>
          %dma_start3A_98 = arith.constant 0 : i32
          %dma_start3A_99 = arith.constant 0 : i32
          %dma_start3A_100 = tpu.memref_slice %arg11[%dma_start3A_98, %dma_start3A_99] : memref<10240x128xf32, #tpu.memory_space<vmem_shared>> -> memref<10240x128xf32, #tpu.memory_space<vmem_shared>>
          tpu.enqueue_indirect_dma source(%arg10 : memref<128x128xf32, #tpu.memory_space<vmem>>) target(%dma_start3A_100 : memref<10240x128xf32, #tpu.memory_space<vmem_shared>>) offsets(%arg8 : memref<128xi32, #tpu.memory_space<vmem>>) semaphore(%run_scoped3A : memref<!tpu.dma_semaphore, #tpu.memory_space<semaphore_mem>>) {add = true}
          %dma_wait3A_101 = arith.constant 0 : i32
          %dma_wait3A_102 = arith.constant 0 : i32
          %dma_wait3A_103 = tpu.memref_slice %arg11[%dma_wait3A_101, %dma_wait3A_102] : memref<10240x128xf32, #tpu.memory_space<vmem_shared>> -> memref<10240x128xf32, #tpu.memory_space<vmem_shared>>
          tpu.wait_indirect_dma semaphore(%run_scoped3A : memref<!tpu.dma_semaphore, #tpu.memory_space<semaphore_mem>>) src(%arg10 : memref<128x128xf32, #tpu.memory_space<vmem>>) dst(%dma_wait3A_103 : memref<10240x128xf32, #tpu.memory_space<vmem_shared>>)
          tpu.yield
        }) : () -> ()
      } else {
      }
    }
    %while3A_43 = arith.constant 1 : i32
    scf.for %while3A_50 = %while3A_41 to %while3A_37 step %while3A_43  : i32 {
      %mul3A_51 = arith.muli %while3A_50, %while3A : i32
      %add3A_52 = arith.addi %while3A_34, %mul3A_51 : i32
      %add3A_53 = arith.constant 1 : i32
      %add3A_54 = arith.addi %add3A_52, %add3A_53 : i32
      %lt3A = arith.cmpi slt, %add3A_54, %select_n3A : i32
      %convert_element_type3A_55 = arith.extui %lt3A : i1 to i32
      %cond3A_56 = arith.constant 0 : i32
      %cond3A_57 = arith.cmpi ne, %convert_element_type3A_55, %cond3A_56 : i32
      scf.if %cond3A_57 {
        %add3A_82 = arith.constant 1 : i32
        %add3A_83 = arith.addi %add3A_52, %add3A_82 : i32
        %dma_start3A_84 = arith.constant 0 : i32
        %dma_start3A_85 = tpu.memref_slice %arg6[%add3A_83, %dma_start3A_84] : memref<120x128xi32, #tpu.memory_space<vmem>> -> memref<1x128xi32, #tpu.memory_space<vmem>>
        %dma_start3A_86 = tpu.memref_squeeze %dma_start3A_85 : memref<1x128xi32, #tpu.memory_space<vmem>> -> memref<128xi32, #tpu.memory_space<vmem>>
        %dma_start3A_87 = arith.constant 0 : i32
        %dma_start3A_88 = arith.constant 0 : i32
        %dma_start3A_89 = tpu.memref_slice %arg2[%dma_start3A_87, %dma_start3A_88] : memref<10000x128xf32, #tpu.memory_space<hbm>> -> memref<10000x128xf32, #tpu.memory_space<hbm>>
        tpu.enqueue_indirect_dma source(%dma_start3A_89 : memref<10000x128xf32, #tpu.memory_space<hbm>>) target(%arg10 : memref<128x128xf32, #tpu.memory_space<vmem>>) offsets(%dma_start3A_86 : memref<128xi32, #tpu.memory_space<vmem>>) semaphore(%arg13 : memref<!tpu.dma_semaphore, #tpu.memory_space<semaphore_mem>>)
        %add3A_90 = arith.constant 1 : i32
        %add3A_91 = arith.addi %add3A_52, %add3A_90 : i32
        %dma_start3A_92 = arith.constant 0 : i32
        %dma_start3A_93 = tpu.memref_slice %arg4[%add3A, %add3A_91, %dma_start3A_92] : memref<32x120x128xi32, #tpu.memory_space<hbm>> -> memref<1x1x128xi32, #tpu.memory_space<hbm>>
        %dma_start3A_94 = tpu.memref_squeeze %dma_start3A_93 : memref<1x1x128xi32, #tpu.memory_space<hbm>> -> memref<128xi32, #tpu.memory_space<hbm>>
        %dma_start3A_95 = arith.constant 0 : i32
        %dma_start3A_96 = tpu.memref_slice %arg4[%add3A, %add3A_91, %dma_start3A_95] : memref<32x120x128xi32, #tpu.memory_space<hbm>> -> memref<1x1x128xi32, #tpu.memory_space<hbm>>
        %dma_start3A_97 = tpu.memref_squeeze %dma_start3A_96 : memref<1x1x128xi32, #tpu.memory_space<hbm>> -> memref<128xi32, #tpu.memory_space<hbm>>
        tpu.enqueue_dma source(%dma_start3A_97 : memref<128xi32, #tpu.memory_space<hbm>>) target(%arg8 : memref<128xi32, #tpu.memory_space<vmem>>) target_semaphore(%arg15 : memref<!tpu.dma_semaphore, #tpu.memory_space<semaphore_mem>>)
      } else {
      }
      %dma_wait3A_58 = arith.constant 0 : i32
      %dma_wait3A_59 = tpu.memref_slice %arg6[%add3A_52, %dma_wait3A_58] : memref<120x128xi32, #tpu.memory_space<vmem>> -> memref<1x128xi32, #tpu.memory_space<vmem>>
      %dma_wait3A_60 = tpu.memref_squeeze %dma_wait3A_59 : memref<1x128xi32, #tpu.memory_space<vmem>> -> memref<128xi32, #tpu.memory_space<vmem>>
      %dma_wait3A_61 = arith.constant 0 : i32
      %dma_wait3A_62 = arith.constant 0 : i32
      %dma_wait3A_63 = tpu.memref_slice %arg2[%dma_wait3A_61, %dma_wait3A_62] : memref<10000x128xf32, #tpu.memory_space<hbm>> -> memref<10000x128xf32, #tpu.memory_space<hbm>>
      tpu.wait_indirect_dma semaphore(%arg12 : memref<!tpu.dma_semaphore, #tpu.memory_space<semaphore_mem>>) src(%dma_wait3A_63 : memref<10000x128xf32, #tpu.memory_space<hbm>>) dst(%arg9 : memref<128x128xf32, #tpu.memory_space<vmem>>)
      %dma_wait3A_64 = arith.constant 0 : i32
      %dma_wait3A_65 = tpu.memref_slice %arg4[%add3A, %add3A_52, %dma_wait3A_64] : memref<32x120x128xi32, #tpu.memory_space<hbm>> -> memref<1x1x128xi32, #tpu.memory_space<hbm>>
      %dma_wait3A_66 = tpu.memref_squeeze %dma_wait3A_65 : memref<1x1x128xi32, #tpu.memory_space<hbm>> -> memref<128xi32, #tpu.memory_space<hbm>>
      %dma_wait3A_67 = arith.constant 0 : i32
      %dma_wait3A_68 = tpu.memref_slice %arg4[%add3A, %add3A_52, %dma_wait3A_67] : memref<32x120x128xi32, #tpu.memory_space<hbm>> -> memref<1x1x128xi32, #tpu.memory_space<hbm>>
      %dma_wait3A_69 = tpu.memref_squeeze %dma_wait3A_68 : memref<1x1x128xi32, #tpu.memory_space<hbm>> -> memref<128xi32, #tpu.memory_space<hbm>>
      tpu.wait_dma2 semaphore(%arg14 : memref<!tpu.dma_semaphore, #tpu.memory_space<semaphore_mem>>) src(%dma_wait3A_69 : memref<128xi32, #tpu.memory_space<hbm>>) dst(%arg7 : memref<128xi32, #tpu.memory_space<vmem>>)
      "tpu.region"() ({
        %run_scoped3A = tpu.sem_alloc : memref<!tpu.dma_semaphore, #tpu.memory_space<semaphore_mem>>
        %dma_start3A_82 = arith.constant 0 : i32
        %dma_start3A_83 = arith.constant 0 : i32
        %dma_start3A_84 = tpu.memref_slice %arg11[%dma_start3A_82, %dma_start3A_83] : memref<10240x128xf32, #tpu.memory_space<vmem_shared>> -> memref<10240x128xf32, #tpu.memory_space<vmem_shared>>
        tpu.enqueue_indirect_dma source(%arg9 : memref<128x128xf32, #tpu.memory_space<vmem>>) target(%dma_start3A_84 : memref<10240x128xf32, #tpu.memory_space<vmem_shared>>) offsets(%arg7 : memref<128xi32, #tpu.memory_space<vmem>>) semaphore(%run_scoped3A : memref<!tpu.dma_semaphore, #tpu.memory_space<semaphore_mem>>) {add = true}
        %dma_wait3A_85 = arith.constant 0 : i32
        %dma_wait3A_86 = arith.constant 0 : i32
        %dma_wait3A_87 = tpu.memref_slice %arg11[%dma_wait3A_85, %dma_wait3A_86] : memref<10240x128xf32, #tpu.memory_space<vmem_shared>> -> memref<10240x128xf32, #tpu.memory_space<vmem_shared>>
        tpu.wait_indirect_dma semaphore(%run_scoped3A : memref<!tpu.dma_semaphore, #tpu.memory_space<semaphore_mem>>) src(%arg9 : memref<128x128xf32, #tpu.memory_space<vmem>>) dst(%dma_wait3A_87 : memref<10240x128xf32, #tpu.memory_space<vmem_shared>>)
        tpu.yield
      }) : () -> ()
      %add3A_70 = arith.constant 2 : i32
      %add3A_71 = arith.addi %add3A_52, %add3A_70 : i32
      %lt3A_72 = arith.cmpi slt, %add3A_71, %select_n3A : i32
      %convert_element_type3A_73 = arith.extui %lt3A_72 : i1 to i32
      %cond3A_74 = arith.constant 0 : i32
      %cond3A_75 = arith.cmpi ne, %convert_element_type3A_73, %cond3A_74 : i32
      scf.if %cond3A_75 {
        %add3A_82 = arith.constant 2 : i32
        %add3A_83 = arith.addi %add3A_52, %add3A_82 : i32
        %dma_start3A_84 = arith.constant 0 : i32
        %dma_start3A_85 = tpu.memref_slice %arg6[%add3A_83, %dma_start3A_84] : memref<120x128xi32, #tpu.memory_space<vmem>> -> memref<1x128xi32, #tpu.memory_space<vmem>>
        %dma_start3A_86 = tpu.memref_squeeze %dma_start3A_85 : memref<1x128xi32, #tpu.memory_space<vmem>> -> memref<128xi32, #tpu.memory_space<vmem>>
        %dma_start3A_87 = arith.constant 0 : i32
        %dma_start3A_88 = arith.constant 0 : i32
        %dma_start3A_89 = tpu.memref_slice %arg2[%dma_start3A_87, %dma_start3A_88] : memref<10000x128xf32, #tpu.memory_space<hbm>> -> memref<10000x128xf32, #tpu.memory_space<hbm>>
        tpu.enqueue_indirect_dma source(%dma_start3A_89 : memref<10000x128xf32, #tpu.memory_space<hbm>>) target(%arg9 : memref<128x128xf32, #tpu.memory_space<vmem>>) offsets(%dma_start3A_86 : memref<128xi32, #tpu.memory_space<vmem>>) semaphore(%arg12 : memref<!tpu.dma_semaphore, #tpu.memory_space<semaphore_mem>>)
        %add3A_90 = arith.constant 2 : i32
        %add3A_91 = arith.addi %add3A_52, %add3A_90 : i32
        %dma_start3A_92 = arith.constant 0 : i32
        %dma_start3A_93 = tpu.memref_slice %arg4[%add3A, %add3A_91, %dma_start3A_92] : memref<32x120x128xi32, #tpu.memory_space<hbm>> -> memref<1x1x128xi32, #tpu.memory_space<hbm>>
        %dma_start3A_94 = tpu.memref_squeeze %dma_start3A_93 : memref<1x1x128xi32, #tpu.memory_space<hbm>> -> memref<128xi32, #tpu.memory_space<hbm>>
        %dma_start3A_95 = arith.constant 0 : i32
        %dma_start3A_96 = tpu.memref_slice %arg4[%add3A, %add3A_91, %dma_start3A_95] : memref<32x120x128xi32, #tpu.memory_space<hbm>> -> memref<1x1x128xi32, #tpu.memory_space<hbm>>
        %dma_start3A_97 = tpu.memref_squeeze %dma_start3A_96 : memref<1x1x128xi32, #tpu.memory_space<hbm>> -> memref<128xi32, #tpu.memory_space<hbm>>
        tpu.enqueue_dma source(%dma_start3A_97 : memref<128xi32, #tpu.memory_space<hbm>>) target(%arg7 : memref<128xi32, #tpu.memory_space<vmem>>) target_semaphore(%arg14 : memref<!tpu.dma_semaphore, #tpu.memory_space<semaphore_mem>>)
      } else {
      }
      %add3A_76 = arith.constant 1 : i32
      %add3A_77 = arith.addi %add3A_52, %add3A_76 : i32
      %lt3A_78 = arith.cmpi slt, %add3A_77, %select_n3A : i32
      %convert_element_type3A_79 = arith.extui %lt3A_78 : i1 to i32
      %cond3A_80 = arith.constant 0 : i32
      %cond3A_81 = arith.cmpi ne, %convert_element_type3A_79, %cond3A_80 : i32
      scf.if %cond3A_81 {
        %add3A_82 = arith.constant 1 : i32
        %add3A_83 = arith.addi %add3A_52, %add3A_82 : i32
        %dma_wait3A_84 = arith.constant 0 : i32
        %dma_wait3A_85 = tpu.memref_slice %arg6[%add3A_83, %dma_wait3A_84] : memref<120x128xi32, #tpu.memory_space<vmem>> -> memref<1x128xi32, #tpu.memory_space<vmem>>
        %dma_wait3A_86 = tpu.memref_squeeze %dma_wait3A_85 : memref<1x128xi32, #tpu.memory_space<vmem>> -> memref<128xi32, #tpu.memory_space<vmem>>
        %dma_wait3A_87 = arith.constant 0 : i32
        %dma_wait3A_88 = arith.constant 0 : i32
        %dma_wait3A_89 = tpu.memref_slice %arg2[%dma_wait3A_87, %dma_wait3A_88] : memref<10000x128xf32, #tpu.memory_space<hbm>> -> memref<10000x128xf32, #tpu.memory_space<hbm>>
        tpu.wait_indirect_dma semaphore(%arg13 : memref<!tpu.dma_semaphore, #tpu.memory_space<semaphore_mem>>) src(%dma_wait3A_89 : memref<10000x128xf32, #tpu.memory_space<hbm>>) dst(%arg10 : memref<128x128xf32, #tpu.memory_space<vmem>>)
        %add3A_90 = arith.constant 1 : i32
        %add3A_91 = arith.addi %add3A_52, %add3A_90 : i32
        %dma_wait3A_92 = arith.constant 0 : i32
        %dma_wait3A_93 = tpu.memref_slice %arg4[%add3A, %add3A_91, %dma_wait3A_92] : memref<32x120x128xi32, #tpu.memory_space<hbm>> -> memref<1x1x128xi32, #tpu.memory_space<hbm>>
        %dma_wait3A_94 = tpu.memref_squeeze %dma_wait3A_93 : memref<1x1x128xi32, #tpu.memory_space<hbm>> -> memref<128xi32, #tpu.memory_space<hbm>>
        %dma_wait3A_95 = arith.constant 0 : i32
        %dma_wait3A_96 = tpu.memref_slice %arg4[%add3A, %add3A_91, %dma_wait3A_95] : memref<32x120x128xi32, #tpu.memory_space<hbm>> -> memref<1x1x128xi32, #tpu.memory_space<hbm>>
        %dma_wait3A_97 = tpu.memref_squeeze %dma_wait3A_96 : memref<1x1x128xi32, #tpu.memory_space<hbm>> -> memref<128xi32, #tpu.memory_space<hbm>>
        tpu.wait_dma2 semaphore(%arg15 : memref<!tpu.dma_semaphore, #tpu.memory_space<semaphore_mem>>) src(%dma_wait3A_97 : memref<128xi32, #tpu.memory_space<hbm>>) dst(%arg8 : memref<128xi32, #tpu.memory_space<vmem>>)
        "tpu.region"() ({
          %run_scoped3A = tpu.sem_alloc : memref<!tpu.dma_semaphore, #tpu.memory_space<semaphore_mem>>
          %dma_start3A_98 = arith.constant 0 : i32
          %dma_start3A_99 = arith.constant 0 : i32
          %dma_start3A_100 = tpu.memref_slice %arg11[%dma_start3A_98, %dma_start3A_99] : memref<10240x128xf32, #tpu.memory_space<vmem_shared>> -> memref<10240x128xf32, #tpu.memory_space<vmem_shared>>
          tpu.enqueue_indirect_dma source(%arg10 : memref<128x128xf32, #tpu.memory_space<vmem>>) target(%dma_start3A_100 : memref<10240x128xf32, #tpu.memory_space<vmem_shared>>) offsets(%arg8 : memref<128xi32, #tpu.memory_space<vmem>>) semaphore(%run_scoped3A : memref<!tpu.dma_semaphore, #tpu.memory_space<semaphore_mem>>) {add = true}
          %dma_wait3A_101 = arith.constant 0 : i32
          %dma_wait3A_102 = arith.constant 0 : i32
          %dma_wait3A_103 = tpu.memref_slice %arg11[%dma_wait3A_101, %dma_wait3A_102] : memref<10240x128xf32, #tpu.memory_space<vmem_shared>> -> memref<10240x128xf32, #tpu.memory_space<vmem_shared>>
          tpu.wait_indirect_dma semaphore(%run_scoped3A : memref<!tpu.dma_semaphore, #tpu.memory_space<semaphore_mem>>) src(%arg10 : memref<128x128xf32, #tpu.memory_space<vmem>>) dst(%dma_wait3A_103 : memref<10240x128xf32, #tpu.memory_space<vmem_shared>>)
          tpu.yield
        }) : () -> ()
      } else {
      }
    }
    %barrier3A_44 = arith.constant 0 : index
    tpu.barrier barrier_id(%barrier3A_44)
    %scan3A_45 = arith.constant 0 : i32
    %scan3A_46 = arith.constant 5 : i32
    %scan3A_47 = arith.addi %scan3A_45, %scan3A_46 : i32
    %scan3A_48 = arith.constant 1 : i32
    scf.for %scan3A_50 = %scan3A_45 to %scan3A_47 step %scan3A_48  : i32 {
      %mul3A_51 = arith.constant 1 : i32
      %mul3A_52 = arith.muli %scan3A_50, %mul3A_51 : i32
      %add3A_53 = arith.constant 0 : i32
      %add3A_54 = arith.addi %add3A_53, %mul3A_52 : i32
      %mul3A_55 = arith.constant 640 : i32
      %mul3A_56 = arith.muli %arg1, %mul3A_55 : i32
      %mul3A_57 = arith.constant 128 : i32
      %mul3A_58 = arith.muli %add3A_54, %mul3A_57 : i32
      %add3A_59 = arith.addi %mul3A_56, %mul3A_58 : i32
      "tpu.region"() ({
        %run_scoped3A = tpu.sem_alloc : memref<!tpu.dma_semaphore, #tpu.memory_space<semaphore_mem>>
        %dma_start3A_60 = arith.constant 0 : i32
        %dma_start3A_61 = tpu.memref_slice %arg5[%arg0, %add3A_59, %dma_start3A_60] : memref<2x10240x128xf32, #tpu.memory_space<hbm>> -> memref<1x128x128xf32, #tpu.memory_space<hbm>>
        %dma_start3A_62 = tpu.memref_squeeze %dma_start3A_61 : memref<1x128x128xf32, #tpu.memory_space<hbm>> -> memref<128x128xf32, #tpu.memory_space<hbm>>
        %dma_start3A_63 = arith.constant 0 : i32
        %dma_start3A_64 = tpu.memref_slice %arg11[%add3A_59, %dma_start3A_63] : memref<10240x128xf32, #tpu.memory_space<vmem_shared>> -> memref<128x128xf32, #tpu.memory_space<vmem_shared>>
        tpu.enqueue_dma source(%dma_start3A_64 : memref<128x128xf32, #tpu.memory_space<vmem_shared>>) target(%dma_start3A_62 : memref<128x128xf32, #tpu.memory_space<hbm>>) target_semaphore(%run_scoped3A : memref<!tpu.dma_semaphore, #tpu.memory_space<semaphore_mem>>)
        %dma_wait3A_65 = arith.constant 0 : i32
        %dma_wait3A_66 = tpu.memref_slice %arg5[%arg0, %add3A_59, %dma_wait3A_65] : memref<2x10240x128xf32, #tpu.memory_space<hbm>> -> memref<1x128x128xf32, #tpu.memory_space<hbm>>
        %dma_wait3A_67 = tpu.memref_squeeze %dma_wait3A_66 : memref<1x128x128xf32, #tpu.memory_space<hbm>> -> memref<128x128xf32, #tpu.memory_space<hbm>>
        %dma_wait3A_68 = arith.constant 0 : i32
        %dma_wait3A_69 = tpu.memref_slice %arg11[%add3A_59, %dma_wait3A_68] : memref<10240x128xf32, #tpu.memory_space<vmem_shared>> -> memref<128x128xf32, #tpu.memory_space<vmem_shared>>
        tpu.wait_dma2 semaphore(%run_scoped3A : memref<!tpu.dma_semaphore, #tpu.memory_space<semaphore_mem>>) src(%dma_wait3A_69 : memref<128x128xf32, #tpu.memory_space<vmem_shared>>) dst(%dma_wait3A_67 : memref<128x128xf32, #tpu.memory_space<hbm>>)
        tpu.yield
      }) : () -> ()
    }
    %scan3A_49 = arith.constant 5 : i32
    return
  }
}

module attributes {stable_mosaic.version = 14 : i64} {
  func.func @_mm_body(%arg0: i32, %arg1: memref<2000x128xf32, #tpu.memory_space<vmem>>, %arg2: memref<128x128xf32, #tpu.memory_space<vmem>>, %arg3: memref<2000x128xf32, #tpu.memory_space<vmem>>) attributes {dimension_semantics = [#tpu.dimension_semantics<arbitrary>], iteration_bounds = array<i64: 5>, scalar_prefetch = 0 : i64, scratch_operands = 0 : i64, tpu.core_type = #tpu.core_type<tc>, window_params = [{transform_indices = @transform_0, window_bounds = array<i64: 2000, 128>}, {pipeline_mode = #tpu.pipeline_mode<synchronous>, transform_indices = @transform_1, window_bounds = array<i64: 128, 128>}, {transform_indices = @transform_2, window_bounds = array<i64: 2000, 128>}]} {
    %get3A = arith.constant 0 : index
    %get3A_0 = arith.constant 0 : index
    %get3A_1 = vector.load %arg1[%get3A, %get3A_0] : memref<2000x128xf32, #tpu.memory_space<vmem>>, vector<2000x128xf32>
    %get3A_2 = arith.constant 0 : index
    %get3A_3 = arith.constant 0 : index
    %get3A_4 = vector.load %arg2[%get3A_2, %get3A_3] : memref<128x128xf32, #tpu.memory_space<vmem>>, vector<128x128xf32>
    %dot_general3A = arith.constant dense<0.000000e+00> : vector<2000x128xf32>
    %dot_general3A_5 = tpu.matmul %get3A_1, %get3A_4, %dot_general3A {dimension_numbers = #tpu.dot_dimension_numbers<[1], [0], [0], [1], [0, 0, 1, 1], [], []>, transpose_lhs_hint = false} : vector<2000x128xf32>, vector<128x128xf32>, vector<2000x128xf32> -> vector<2000x128xf32>
    %swap3A = arith.constant 0 : index
    %swap3A_6 = arith.constant 0 : index
    %swap3A_7 = vector.load %arg3[%swap3A, %swap3A_6] : memref<2000x128xf32, #tpu.memory_space<vmem>>, vector<2000x128xf32>
    tpu.vector_store %arg3[%swap3A, %swap3A_6], %dot_general3A_5 {strides = array<i32>} : memref<2000x128xf32, #tpu.memory_space<vmem>>, vector<2000x128xf32>,
    return
  }
  func.func @transform_0(%arg0: i32) -> (i32, i32) {
    %c0_i32 = arith.constant 0 : i32
    %c0_i32_0 = arith.constant 0 : i32
    return %arg0, %c0_i32 : i32, i32
  }
  func.func @transform_1(%arg0: i32) -> (i32, i32) {
    %c0_i32 = arith.constant 0 : i32
    %c0_i32_0 = arith.constant 0 : i32
    %c0_i32_1 = arith.constant 0 : i32
    return %c0_i32, %c0_i32_0 : i32, i32
  }
  func.func @transform_2(%arg0: i32) -> (i32, i32) {
    %c0_i32 = arith.constant 0 : i32
    %c0_i32_0 = arith.constant 0 : i32
    return %arg0, %c0_i32 : i32, i32
  }
}

module attributes {stable_mosaic.version = 14 : i64} {
  func.func @_final_body(%arg0: i32, %arg1: memref<2000x128xf32, #tpu.memory_space<vmem>>, %arg2: memref<2x2000x128xf32, #tpu.memory_space<vmem>>, %arg3: memref<1x128xf32, #tpu.memory_space<vmem>>, %arg4: memref<128x128xf32, #tpu.memory_space<vmem>>, %arg5: memref<1x128xf32, #tpu.memory_space<vmem>>, %arg6: memref<2000x128xf32, #tpu.memory_space<vmem>>) attributes {dimension_semantics = [#tpu.dimension_semantics<arbitrary>], iteration_bounds = array<i64: 5>, scalar_prefetch = 0 : i64, scratch_operands = 0 : i64, tpu.core_type = #tpu.core_type<tc>, window_params = [{transform_indices = @transform_0, window_bounds = array<i64: 2000, 128>}, {transform_indices = @transform_1, window_bounds = array<i64: 2, 2000, 128>}, {pipeline_mode = #tpu.pipeline_mode<synchronous>, transform_indices = @transform_2, window_bounds = array<i64: 1, 128>}, {pipeline_mode = #tpu.pipeline_mode<synchronous>, transform_indices = @transform_3, window_bounds = array<i64: 128, 128>}, {pipeline_mode = #tpu.pipeline_mode<synchronous>, transform_indices = @transform_4, window_bounds = array<i64: 1, 128>}, {transform_indices = @transform_5, window_bounds = array<i64: 2000, 128>}]} {
    %get3A = arith.constant 0 : index
    %get3A_0 = arith.constant 0 : index
    %get3A_1 = vector.load %arg1[%get3A, %get3A_0] : memref<2000x128xf32, #tpu.memory_space<vmem>>, vector<2000x128xf32>
    %get3A_2 = arith.constant 0 : index
    %get3A_3 = arith.constant 0 : index
    %get3A_4 = arith.constant 0 : index
    %get3A_5 = vector.load %arg2[%get3A_2, %get3A_3, %get3A_4] : memref<2x2000x128xf32, #tpu.memory_space<vmem>>, vector<1x2000x128xf32>
    %get3A_6 = vector.shape_cast %get3A_5 : vector<1x2000x128xf32> to vector<2000x128xf32>
    %add3A = arith.addf %get3A_1, %get3A_6 : vector<2000x128xf32>
    %get3A_7 = arith.constant 1 : index
    %get3A_8 = arith.constant 0 : index
    %get3A_9 = arith.constant 0 : index
    %get3A_10 = vector.load %arg2[%get3A_7, %get3A_8, %get3A_9] : memref<2x2000x128xf32, #tpu.memory_space<vmem>>, vector<1x2000x128xf32>
    %get3A_11 = vector.shape_cast %get3A_10 : vector<1x2000x128xf32> to vector<2000x128xf32>
    %add3A_12 = arith.addf %add3A, %get3A_11 : vector<2000x128xf32>
    %get3A_13 = arith.constant 0 : index
    %get3A_14 = arith.constant 0 : index
    %get3A_15 = vector.load %arg3[%get3A_13, %get3A_14] : memref<1x128xf32, #tpu.memory_space<vmem>>, vector<1x128xf32>
    %add3A_16 = vector.broadcast %get3A_15 : vector<1x128xf32> to vector<2000x128xf32>
    %add3A_17 = arith.addf %add3A_12, %add3A_16 : vector<2000x128xf32>
    %max3A = arith.constant 0.000000e+00 : f32
    %max3A_18 = vector.broadcast %max3A : f32 to vector<2000x128xf32>
    %max3A_19 = arith.maximumf %add3A_17, %max3A_18 : vector<2000x128xf32>
    %get3A_20 = arith.constant 0 : index
    %get3A_21 = arith.constant 0 : index
    %get3A_22 = vector.load %arg4[%get3A_20, %get3A_21] : memref<128x128xf32, #tpu.memory_space<vmem>>, vector<128x128xf32>
    %dot_general3A = arith.constant dense<0.000000e+00> : vector<2000x128xf32>
    %dot_general3A_23 = tpu.matmul %max3A_19, %get3A_22, %dot_general3A {dimension_numbers = #tpu.dot_dimension_numbers<[1], [0], [0], [1], [0, 0, 1, 1], [], []>, transpose_lhs_hint = false} : vector<2000x128xf32>, vector<128x128xf32>, vector<2000x128xf32> -> vector<2000x128xf32>
    %get3A_24 = arith.constant 0 : index
    %get3A_25 = arith.constant 0 : index
    %get3A_26 = vector.load %arg5[%get3A_24, %get3A_25] : memref<1x128xf32, #tpu.memory_space<vmem>>, vector<1x128xf32>
    %add3A_27 = vector.broadcast %get3A_26 : vector<1x128xf32> to vector<2000x128xf32>
    %add3A_28 = arith.addf %dot_general3A_23, %add3A_27 : vector<2000x128xf32>
    %reduce_max3A = arith.constant dense<0xFF800000> : vector<2000xf32>
    %reduce_max3A_29 = vector.multi_reduction <maximumf>, %add3A_28, %reduce_max3A [1] : vector<2000x128xf32> to vector<2000xf32>
    %broadcast_in_dim3A = vector.shape_cast %reduce_max3A_29 : vector<2000xf32> to vector<2000x1xf32>
    %sub3A = vector.broadcast %broadcast_in_dim3A : vector<2000x1xf32> to vector<2000x128xf32>
    %sub3A_30 = arith.subf %add3A_28, %sub3A : vector<2000x128xf32>
    %exp3A = math.exp %sub3A_30 : vector<2000x128xf32>
    %reduce_sum3A = arith.constant dense<0.000000e+00> : vector<2000xf32>
    %reduce_sum3A_31 = vector.multi_reduction <add>, %exp3A, %reduce_sum3A [1] : vector<2000x128xf32> to vector<2000xf32>
    %broadcast_in_dim3A_32 = vector.shape_cast %reduce_sum3A_31 : vector<2000xf32> to vector<2000x1xf32>
    %log3A = math.log %broadcast_in_dim3A_32 : vector<2000x1xf32>
    %sub3A_33 = vector.broadcast %log3A : vector<2000x1xf32> to vector<2000x128xf32>
    %sub3A_34 = arith.subf %sub3A_30, %sub3A_33 : vector<2000x128xf32>
    %swap3A = arith.constant 0 : index
    %swap3A_35 = arith.constant 0 : index
    %swap3A_36 = vector.load %arg6[%swap3A, %swap3A_35] : memref<2000x128xf32, #tpu.memory_space<vmem>>, vector<2000x128xf32>
    tpu.vector_store %arg6[%swap3A, %swap3A_35], %sub3A_34 {strides = array<i32>} : memref<2000x128xf32, #tpu.memory_space<vmem>>, vector<2000x128xf32>,
    return
  }
  func.func @transform_0(%arg0: i32) -> (i32, i32) {
    %c0_i32 = arith.constant 0 : i32
    %c0_i32_0 = arith.constant 0 : i32
    return %arg0, %c0_i32 : i32, i32
  }
  func.func @transform_1(%arg0: i32) -> (i32, i32, i32) {
    %c0_i32 = arith.constant 0 : i32
    %c0_i32_0 = arith.constant 0 : i32
    %c0_i32_1 = arith.constant 0 : i32
    return %c0_i32, %arg0, %c0_i32_0 : i32, i32, i32
  }
  func.func @transform_2(%arg0: i32) -> (i32, i32) {
    %c0_i32 = arith.constant 0 : i32
    %c0_i32_0 = arith.constant 0 : i32
    %c0_i32_1 = arith.constant 0 : i32
    return %c0_i32, %c0_i32_0 : i32, i32
  }
  func.func @transform_3(%arg0: i32) -> (i32, i32) {
    %c0_i32 = arith.constant 0 : i32
    %c0_i32_0 = arith.constant 0 : i32
    %c0_i32_1 = arith.constant 0 : i32
    return %c0_i32, %c0_i32_0 : i32, i32
  }
  func.func @transform_4(%arg0: i32) -> (i32, i32) {
    %c0_i32 = arith.constant 0 : i32
    %c0_i32_0 = arith.constant 0 : i32
    %c0_i32_1 = arith.constant 0 : i32
    return %c0_i32, %c0_i32_0 : i32, i32
  }
  func.func @transform_5(%arg0: i32) -> (i32, i32) {
    %c0_i32 = arith.constant 0 : i32
    %c0_i32_0 = arith.constant 0 : i32
    return %arg0, %c0_i32 : i32, i32
  }
}

module attributes {stable_mosaic.version = 14 : i64} {
  func.func @_fuse_body(%arg0: i32, %arg1: memref<2000x128xf32, #tpu.memory_space<vmem>>, %arg2: memref<2x2000x128xf32, #tpu.memory_space<vmem>>, %arg3: memref<1x128xf32, #tpu.memory_space<vmem>>, %arg4: memref<128x128xf32, #tpu.memory_space<vmem>>, %arg5: memref<2000x128xf32, #tpu.memory_space<vmem>>) attributes {dimension_semantics = [#tpu.dimension_semantics<arbitrary>], iteration_bounds = array<i64: 5>, scalar_prefetch = 0 : i64, scratch_operands = 0 : i64, tpu.core_type = #tpu.core_type<tc>, window_params = [{transform_indices = @transform_0, window_bounds = array<i64: 2000, 128>}, {transform_indices = @transform_1, window_bounds = array<i64: 2, 2000, 128>}, {pipeline_mode = #tpu.pipeline_mode<synchronous>, transform_indices = @transform_2, window_bounds = array<i64: 1, 128>}, {pipeline_mode = #tpu.pipeline_mode<synchronous>, transform_indices = @transform_3, window_bounds = array<i64: 128, 128>}, {transform_indices = @transform_4, window_bounds = array<i64: 2000, 128>}]} {
    %get3A = arith.constant 0 : index
    %get3A_0 = arith.constant 0 : index
    %get3A_1 = vector.load %arg1[%get3A, %get3A_0] : memref<2000x128xf32, #tpu.memory_space<vmem>>, vector<2000x128xf32>
    %get3A_2 = arith.constant 0 : index
    %get3A_3 = arith.constant 0 : index
    %get3A_4 = arith.constant 0 : index
    %get3A_5 = vector.load %arg2[%get3A_2, %get3A_3, %get3A_4] : memref<2x2000x128xf32, #tpu.memory_space<vmem>>, vector<1x2000x128xf32>
    %get3A_6 = vector.shape_cast %get3A_5 : vector<1x2000x128xf32> to vector<2000x128xf32>
    %add3A = arith.addf %get3A_1, %get3A_6 : vector<2000x128xf32>
    %get3A_7 = arith.constant 1 : index
    %get3A_8 = arith.constant 0 : index
    %get3A_9 = arith.constant 0 : index
    %get3A_10 = vector.load %arg2[%get3A_7, %get3A_8, %get3A_9] : memref<2x2000x128xf32, #tpu.memory_space<vmem>>, vector<1x2000x128xf32>
    %get3A_11 = vector.shape_cast %get3A_10 : vector<1x2000x128xf32> to vector<2000x128xf32>
    %add3A_12 = arith.addf %add3A, %get3A_11 : vector<2000x128xf32>
    %get3A_13 = arith.constant 0 : index
    %get3A_14 = arith.constant 0 : index
    %get3A_15 = vector.load %arg3[%get3A_13, %get3A_14] : memref<1x128xf32, #tpu.memory_space<vmem>>, vector<1x128xf32>
    %add3A_16 = vector.broadcast %get3A_15 : vector<1x128xf32> to vector<2000x128xf32>
    %add3A_17 = arith.addf %add3A_12, %add3A_16 : vector<2000x128xf32>
    %max3A = arith.constant 0.000000e+00 : f32
    %max3A_18 = vector.broadcast %max3A : f32 to vector<2000x128xf32>
    %max3A_19 = arith.maximumf %add3A_17, %max3A_18 : vector<2000x128xf32>
    %get3A_20 = arith.constant 0 : index
    %get3A_21 = arith.constant 0 : index
    %get3A_22 = vector.load %arg4[%get3A_20, %get3A_21] : memref<128x128xf32, #tpu.memory_space<vmem>>, vector<128x128xf32>
    %dot_general3A = arith.constant dense<0.000000e+00> : vector<2000x128xf32>
    %dot_general3A_23 = tpu.matmul %max3A_19, %get3A_22, %dot_general3A {dimension_numbers = #tpu.dot_dimension_numbers<[1], [0], [0], [1], [0, 0, 1, 1], [], []>, transpose_lhs_hint = false} : vector<2000x128xf32>, vector<128x128xf32>, vector<2000x128xf32> -> vector<2000x128xf32>
    %swap3A = arith.constant 0 : index
    %swap3A_24 = arith.constant 0 : index
    %swap3A_25 = vector.load %arg5[%swap3A, %swap3A_24] : memref<2000x128xf32, #tpu.memory_space<vmem>>, vector<2000x128xf32>
    tpu.vector_store %arg5[%swap3A, %swap3A_24], %dot_general3A_23 {strides = array<i32>} : memref<2000x128xf32, #tpu.memory_space<vmem>>, vector<2000x128xf32>,
    return
  }
  func.func @transform_0(%arg0: i32) -> (i32, i32) {
    %c0_i32 = arith.constant 0 : i32
    %c0_i32_0 = arith.constant 0 : i32
    return %arg0, %c0_i32 : i32, i32
  }
  func.func @transform_1(%arg0: i32) -> (i32, i32, i32) {
    %c0_i32 = arith.constant 0 : i32
    %c0_i32_0 = arith.constant 0 : i32
    %c0_i32_1 = arith.constant 0 : i32
    return %c0_i32, %arg0, %c0_i32_0 : i32, i32, i32
  }
  func.func @transform_2(%arg0: i32) -> (i32, i32) {
    %c0_i32 = arith.constant 0 : i32
    %c0_i32_0 = arith.constant 0 : i32
    %c0_i32_1 = arith.constant 0 : i32
    return %c0_i32, %c0_i32_0 : i32, i32
  }
  func.func @transform_3(%arg0: i32) -> (i32, i32) {
    %c0_i32 = arith.constant 0 : i32
    %c0_i32_0 = arith.constant 0 : i32
    %c0_i32_1 = arith.constant 0 : i32
    return %c0_i32, %c0_i32_0 : i32, i32
  }
  func.func @transform_4(%arg0: i32) -> (i32, i32) {
    %c0_i32 = arith.constant 0 : i32
    %c0_i32_0 = arith.constant 0 : i32
    return %arg0, %c0_i32 : i32, i32
  }
}

</mosaic_0001>

<sc_bundles>
// kernel: kernel.10.cloned.1.call-start
scs
__scs_entry_jumppad:
0x0: {  	(pc) =	sbr.rel $0x88, $3  }
0x1: {  	(tag) =	ssettag $0x0;
	lr =	simm.s32 $0x1  }
0x2: {  	[smem:$0x3F99] =	sst lr;
	_ =	strace $0xD0000000  }
0x3: {  	_ = 	snop  }
0x4: {  	_ = 	snop  }
0x5: {  	_ = 	snop  }
0x6: {  	_ = 	snop  }
0x7: {  	_ = 	snop  }
__scs_overlays_trampoline_lowered:
0x8: {  	[smem:$0x3FA8] =	sst s0  }
0x9: {  	[smem:$0x3FA9] =	sst s1  }
0xa: {  	[smem:$0x3FAA] =	sst s2  }
0xb: {  	[smem:$0x3FAB] =	sst s3  }
0xc: {  	[smem:$0x3FAC] =	sst s4  }
0xd: {  	[smem:$0x3FAD] =	sst s5  }
0xe: {  	[smem:$0x3FAE] =	sst s6  }
0xf: {  	[smem:$0x3FAF] =	sst s7  }
0x10: {  	[smem:$0x3FB0] =	sst s8  }
0x11: {  	[smem:$0x3FB1] =	sst s9;
	s0 =	simm.s32 @!p0 $0x0  }
0x12: {  	s1 =	sld [smem:$0x3F97];
	s0 =	simm.s32 @p0 $0x1  }
0x13: {  	[smem:$0x3FB2] =	sst s0;
	s0 =	simm.s32 @!p1 $0x0  }
0x14: {  	s2 =	sld [smem:$0x3F96];
	s0 =	simm.s32 @p1 $0x1  }
0x15: {  	[smem:$0x3FB3] =	sst s0;
	s0 =	simm.s32 @!p2 $0x0  }
0x16: {  	s3 =	sld [smem:$0x3FDB];
	s0 =	simm.s32 @p2 $0x1  }
0x17: {  	s4 =	simm.s32 $0x1BF5;
	[smem:$0x3FB5] =	sst s0  }
0x18: {  	s0 =	sld [smem:$0x3F98];
	_ =	swait.ge [sflag:s4], $0x0  }
0x19: {  	s7 =	sld [smem:$0x3F99]  }
0x1a: {  	s8 =	sadd.s32 $0xFFFFE003, lr  }
0x1b: {  	s9 =	sadd.s32 $0xFFFFFEF7, lr;
	s5 =	simm.s32 $0xFFFFFFFF;
	p2 =	slt.u32 s8, $0xFFFFF086  }
0x1c: {  	p1 =	slt.u32 s9, $0xF7A;
	s5 =	simm.s32 @!p2 $0x0  }
0x1d: {  	s5 =	simm.s32 @p1 $0x1;
	p0 =	seq.s32 s7, s2  }
0x1e: {  	s7 =	smul.u32 @!p0 $0xF7A, s2;
	p2 =	seq.s32 @!p0 s5, $0x0  }
0x1f: {  	s9 =	smul.u32 $0xF7A, s1;
	s8 =	simm.s32 @!p0 $0x1BF5;
	p2 =	por !p2, p0  }
0x20: {  	[sflag:s8] =	ssyncset.s32 @!p0 $0xFFFFF086;
	s6 =	sadd.s32 @!p0 s3, s7;
	s7 =	simm.s32 @!p0 $0x108  }
0x21: {  	s3 =	sadd.s32 s3, s9;
	s6 =	sadd.s32 @!p0 $0x88, s6;
	s7 =	simm.s32 @p2 $0x1082  }
0x22: {  	[simem:s7], [sflag:s8] =	dma.local @!p0 [hbm:s6], $0xF7A  }
0x23: {  	s9 =	sor.u32 $0xD0000000, s2;
	s6 =	simm.s32 $0x108;
	_ =	swait.ge @!p0 [sflag:s8], $0x0  }
0x24: {  	s3 =	sadd.s32 $0x88, s3;
	s6 =	simm.s32 @!p1 $0x1082;
	[sflag:s4] =	ssyncset.s32 $0xFFFFF086  }
0x25: {  	[simem:s6], [sflag:s4] =	dma.local [hbm:s3], $0xF7A  }
0x26: {  	[smem:$0x3F99] =	sst s1;
	(tag) =	ssettag s2;
	_ =	strace s9  }
0x27: {  	s1 =	sld [smem:$0x3FA9]  }
0x28: {  	s2 =	sld [smem:$0x3FAA]  }
0x29: {  	s4 =	sld [smem:$0x3FAC]  }
0x2a: {  	p0 =	seq.s32 s5, $0x0;
	s5 =	sld [smem:$0x3FAD]  }
0x2b: {  	s6 =	sld [smem:$0x3FAE]  }
0x2c: {  	s7 =	sld [smem:$0x3FAF]  }
0x2d: {  	s3 =	simm.s32 $0x108;
	s8 =	sld [smem:$0x3FB0]  }
0x2e: {  	s3 =	simm.s32 @!p0 $0x1082;
	s9 =	sld [smem:$0x3FB1]  }
0x2f: {  	lr =	sadd.s32 s0, s3;
	s0 =	sld [smem:$0x3FA8]  }
0x30: {  	s3 =	sld [smem:$0x3FAB]  }
0x31: {  	[smem:$0x3FB4] =	sst s10  }
0x32: {  	s10 =	sld [smem:$0x3FB2];
	_ =	sdelay $0x3  }
0x33: {  	p0 =	seq.s32 s10, $0x1;
	s10 =	sld [smem:$0x3FB4];
	_ =	sdelay $0x3  }
0x34: {  	[smem:$0x3FB4] =	sst s10  }
0x35: {  	s10 =	sld [smem:$0x3FB3];
	_ =	sdelay $0x3  }
0x36: {  	p1 =	seq.s32 s10, $0x1;
	s10 =	sld [smem:$0x3FB4];
	_ =	sdelay $0x3  }
0x37: {  	[smem:$0x3FB4] =	sst s10  }
0x38: {  	s10 =	sld [smem:$0x3FB5]  }
0x39: {  	_ = 	snop;
	(pc) =	sbr.ind lr, $3  }
0x3a: {  	_ = 	snop  }
0x3b: {  	_ = 	snop  }
0x3c: {  	p2 =	seq.s32 s10, $0x1;
	s10 =	sld [smem:$0x3FB4]  }
0x3d: {  	_ =	shalt  }
0x3e: {  	_ =	shalt  }
0x3f: {  	_ =	shalt  }
0x40: {  	_ =	shalt  }
0x41: {  	_ =	shalt  }
0x42: {  	_ =	shalt  }
0x43: {  	_ =	shalt  }
0x44: {  	_ =	shalt  }
0x45: {  	_ =	shalt  }
0x46: {  	_ =	shalt  }
0x47: {  	_ =	shalt  }
0x48: {  	_ =	shalt  }
0x49: {  	_ =	shalt  }
0x4a: {  	_ =	shalt  }
0x4b: {  	_ =	shalt  }
0x4c: {  	_ =	shalt  }
0x4d: {  	_ =	shalt  }
0x4e: {  	_ =	shalt  }
0x4f: {  	_ =	shalt  }
0x50: {  	_ =	shalt  }
0x51: {  	_ =	shalt  }
0x52: {  	_ =	shalt  }
0x53: {  	_ =	shalt  }
0x54: {  	_ =	shalt  }
0x55: {  	_ =	shalt  }
0x56: {  	_ =	shalt  }
0x57: {  	_ =	shalt  }
0x58: {  	_ =	shalt  }
0x59: {  	_ =	shalt  }
0x5a: {  	_ =	shalt  }
0x5b: {  	_ =	shalt  }
0x5c: {  	_ =	shalt  }
0x5d: {  	_ =	shalt  }
0x5e: {  	_ =	shalt  }
0x5f: {  	_ =	shalt  }
0x60: {  	_ =	shalt  }
0x61: {  	_ =	shalt  }
0x62: {  	_ =	shalt  }
0x63: {  	_ =	shalt  }
0x64: {  	_ =	shalt  }
0x65: {  	_ =	shalt  }
0x66: {  	_ =	shalt  }
0x67: {  	_ =	shalt  }
0x68: {  	_ =	shalt  }
0x69: {  	_ =	shalt  }
0x6a: {  	_ =	shalt  }
0x6b: {  	_ =	shalt  }
0x6c: {  	_ =	shalt  }
0x6d: {  	_ =	shalt  }
0x6e: {  	_ =	shalt  }
0x6f: {  	_ =	shalt  }
0x70: {  	_ =	shalt  }
0x71: {  	_ =	shalt  }
0x72: {  	_ =	shalt  }
0x73: {  	_ =	shalt  }
0x74: {  	_ =	shalt  }
0x75: {  	_ =	shalt  }
0x76: {  	_ =	shalt  }
0x77: {  	_ =	shalt  }
0x78: {  	_ =	shalt  }
0x79: {  	_ =	shalt  }
0x7a: {  	_ =	shalt  }
0x7b: {  	_ =	shalt  }
0x7c: {  	_ =	shalt  }
0x7d: {  	_ =	shalt  }
0x7e: {  	_ =	shalt  }
0x7f: {  	_ =	shalt  }
0x80: {  	_ =	shalt  }
0x81: {  	_ =	shalt  }
0x82: {  	_ =	shalt  }
0x83: {  	_ =	shalt  }
0x84: {  	_ =	shalt  }
0x85: {  	_ =	shalt  }
0x86: {  	_ =	shalt  }
0x87: {  	_ =	shalt  }
.Lfunc_end0:
.L_simem_size_0:
called_computation.1_lowered:
.L_overlay_start_0:
0x88: {  	s2 =	sld [smem:$0x3FD9]  }
0x89: {  	s3 =	sld [smem:$0x3FFE];
	_ =	sdelay $0x1  }
0x8a: {  	s1 =	srdreg.scid  }
0x8b: {  	s0 =	sand.u32 $0x1, s1  }
0x8c: {  	s17 =	sshll.u32 s0, $0xA;
	s2 =	sadd.s32 s3, s2  }
0x8d: {  	s2 =	sadd.s32 s2, s17  }
0x8e: {  	[smem:$0x3FC0] =	sst s2  }
0x8f: {  	_ = 	snop  }
0x90: {  	s2 =	sld [smem:$0x3FD0];
	(tm) =	ssettm $0x1  }
0x91: {  	s18 =	sld [smem:$0x3FFB];
	_ =	sdelay $0x3  }
0x92: {  	_ =	strace s18  }
0x93: {  	s3 =	sld [smem:$0x3FFC];
	_ =	sdelay $0x3  }
0x94: {  	_ =	strace s3  }
0x95: {  	s3 =	sld [smem:$0x3FFD];
	_ =	sdelay $0x3  }
0x96: {  	_ =	strace s3  }
0x97: {  	_ =	strace $0x8FFFFFFF  }
0x98: {  	s19 =	sld [smem:$0x3FDB];
	_ =	sdelay $0x1  }
0x99: {  	s4 =	simm.s32 $_scs_section_size  }
0x9a: {  	s5 =	simm.s32 $_size__tile_overlayer_lowered;
	s6 =	simm.s32 $_tile_overlayer_lowered  }
0x9b: {  	s22 =	simm.s32 $0x1BFF;
	s21 =	sshll.u32 s6, $0x1;
	s3 =	sadd.s32 s4, s19  }
0x9c: {  	s7 =	simm.s32 $0x0;
	s20 =	sshll.u32 s5, $0x1;
	s5 =	sadd.s32 s21, s3  }
0x9d: {  	[timem:s7], [sflag:s22] =	dma.local [hbm:s5], s20  }
0x9e: {  	_ =	swait.ge [sflag:s22], s20  }
0x9f: {  	s4 =	ssub.s32 $0x0, s20;
	[sflag:s22] =	ssyncset.done $0x0  }
0xa0: {  	[sflag:s22] =	ssyncadd.s32 s4;
	_ =	sdelay $0x1  }
0xa1: {  	s23 =	simm.s32 $0x1B8B  }
0xa2: {  	_ =	swait.ge [sflag:s23], $0x1  }
0xa3: {  	[sflag:s23] =	ssyncset.done $0x0  }
0xa4: {  	s25 =	simm.s32 $0x1B8E;
	s24 =	sld [smem:$0x3FFE];
	[sflag:s23] =	ssyncadd.s32 $0xFFFFFFFF  }
0xa5: {  	s26 =	simm.s32 $execute0_lowered;
	[smem:$0x3FD2] =	sst s25  }
0xa6: {  	s5 =	sshll.u32 s26, $0x1;
	_ =	strace $0x80000049;
	[dreg:$0x1] =	wrdreg $0xFFFFFFFF  }
0xa7: {  	s28 =	simm.s32 $_size_execute0_lowered;
	s3 =	sadd.s32 s3, s5;
	[dreg:$0x0] =	wrdreg $0x0  }
0xa8: {  	s5 =	sshll.u32 s28, $0x1;
	[dreg:$0x2] =	wrdreg s3  }
0xa9: {  	[dreg:$0x3] =	wrdreg s5  }
0xaa: {  	[dreg:$0x4] =	wrdreg $0xC0  }
0xab: {  	_ =	task [dreg:s7], $0x5FFFF  }
0xac: {  	[dreg:$0x1] =	wrdreg $0xFFFFFFFF  }
0xad: {  	[dreg:$0x0] =	wrdreg $0x60  }
0xae: {  	[dreg:$0x2] =	wrdreg s2  }
0xaf: {  	[dreg:$0x3] =	wrdreg s24  }
0xb0: {  	[dreg:$0x4] =	wrdreg $0xBD000  }
0xb1: {  	[dreg:$0x5] =	wrdreg $0x9  }
0xb2: {  	_ =	task.clear_ibuf [dreg:s7], $0x6FFFF;
	_ =	strace $0x90000049  }
0xb3: {  	s29 =	simm.s32 $0x9;
	_ =	strace $0x8000004B  }
0xb4: {  	_ =	swait.ge [sflag:s29], $0x1  }
0xb5: {  	[sflag:s29] =	ssyncadd.s32 $0xFFFFFFFF  }
0xb6: {  	_ =	strace $0x9000004B  }
0xb7: {  	_ =	sfence  }
0xb8: {  	s30 =	sld [smem:$0x0];
	_ =	sdelay $0x2  }
0xb9: {  	s31 =	sshll.u32 s1, $0xD;
	s1 =	sshrl.u32 s1, $0x2  }
0xba: {  	s3 =	sand.u32 $0x4000, s31;
	s1 =	sadd.s32 s1, s30  }
0xbb: {  	s0 =	sor.u32 s3, s0;
	s1 =	sshll.u32 s1, $0x11  }
0xbc: {  	s0 =	sor.u32 s1, s0  }
0xbd: {  	s0 =	sadd.s32 $0x8F2B, s0  }
0xbe: {  	[sflag:s0] =	ssyncadd.remote.s32 $0x1  }
0xbf: {  	_ =	sfence.sel $0xFFFF  }
0xc0: {  	[dreg:$0x0] =	wrdreg $0xFFFFFFFF;
	(pc) =	sbr.abs _section_cstart, $3  }
0xc1: {  	[dreg:$0x1] =	wrdreg $0xFFFFFFFF  }
0xc2: {  	_ =	task.clear_ibuf [dreg:s7], $0x2FFFF;
	_ =	strace $0x9FFFFFFF  }
0xc3: {  	(tm) =	ssettm $0x7FFFFFFF  }
tec
execute0_lowered:
.L_overlay_start_1:
0x0: {  	(tag) =	ssettag $0x1  }
0x1: {  	s1 =	rddreg [dreg:$0x0]  }
0x2: {  	s0 =	srdreg.scid;
	s5 =	rddreg [dreg:$0x1]  }
0x3: {  	s12 =	stileid.u32;
	s3 =	rddreg [dreg:$0x2]  }
0x4: {  	s22 =	simm.s32 $0x0;
	s28 =	simm.s32 $0x3;
	s29 =	simm.s32 $0x80  }
0x5: {  	s30 =	simm.s32 $0x3C00;
	s31 =	simm.s32 $0x1;
	s0 =	sand.u32 $0x1, s0  }
0x6: {  	s2 =	sshll.u32 s12, $0x1;
	[smem:$0x7FF] =	sst s22;
	s9 =	smul.u32 $0x50000, s12  }
0x7: {  	s6 =	sadd.s32 $0x11C00, s5;
	s18 =	smul.u32 $0x14000, s12;
	s2 =	sor.u32 s0, s2  }
0x8: {  	_ =	strace $0x8000004A;
	s7 =	ssub.s32 $0x2, s0;
	s10 =	smul.u32 $0x140000, s0  }
0x9: {  	p0 =	seq.s32 s0, $0x0;
	s4 =	smul.u32 $0x3C00, s2;
	s11 =	sshrl.u32 s7, $0x1  }
0xa: {  	s24 =	sshrl.u32 s9, $0x2;
	s26 =	sadd.s32 $0x4000, s18;
	s16 =	sadd.s32 $0x8000, s18  }
0xb: {  	s22 =	sadd.s32 $0xC000, s18;
	s21 =	sadd.s32 $0x10000, s18;
	s11 =	ssub.s32 s7, s11  }
0xc: {  	s7 =	simm.s32 $0x78;
	s12 =	sadd.s32 s10, s18;
	s9 =	sadd.s32 s24, s3  }
0xd: {  	s20 =	sadd.s32 s10, s16;
	s19 =	sadd.s32 s10, s22;
	s23 =	sshrl.u32 s4, $0x3  }
0xe: {  	s7 =	simm.s32 @!p0 $0x26;
	s25 =	sshrl.u32 s12, $0x3;
	s12 =	sadd.s32 s10, s26  }
0xf: {  	s13 =	sadd.s32 $0x8000, s9;
	s14 =	sadd.s32 $0xC000, s9;
	s15 =	sadd.s32 $0x10000, s9  }
0x10: {  	s10 =	sadd.s32 s10, s21;
	s8 =	sadd.s32 s23, s5;
	[dreg:$0xa] =	wrdreg s13  }
0x11: {  	s5 =	sadd.s32 $0x20C00, s5;
	s2 =	sadd.s32 s6, s23;
	[dreg:$0xb] =	wrdreg s14  }
0x12: {  	[dreg:$0xc] =	wrdreg s15;
	s23 =	sshrl.u32 s19, $0x3;
	s10 =	sshrl.u32 s10, $0x3  }
0x13: {  	s24 =	sshll.u32 s7, $0x7;
	s8 =	sadd.s32 $0x2C00, s8;
	[dreg:$0x6] =	wrdreg s2  }
0x14: {  	s0 =	sadd.s32 s5, s25;
	s2 =	sshrl.u32 s12, $0x3;
	[dreg:$0x5] =	wrdreg s8  }
0x15: {  	s19 =	sadd.s32 s5, s23;
	s25 =	sadd.s32 s22, s3;
	[dreg:$0x7] =	wrdreg s0  }
0x16: {  	s8 =	smax.u32 s11, $0x1;
	s11 =	sadd.s32 $0x4000, s9;
	s17 =	sadd.s32 s5, s2  }
0x17: {  	s0 =	sadd.s32 s26, s3;
	s2 =	sadd.s32 s16, s3;
	[dreg:$0x8] =	wrdreg s8  }
0x18: {  	s26 =	sadd.s32 s21, s3;
	s21 =	simm.s32 $0x3D00;
	[dreg:$0x9] =	wrdreg s11  }
0x19: {  	s8 =	sshrl.u32 s20, $0x3;
	s20 =	sadd.s32 s5, s10;
	s22 =	sshrl.u32 s0, $0x3  }
0x1a: {  	s23 =	sshrl.u32 s2, $0x3;
	s2 =	simm.s32 $0x6;
	s18 =	sadd.s32 s5, s8  }
0x1b: {  	s5 =	sadd.s32 $0xFFFFFF00, s24;
	s24 =	sshrl.u32 s25, $0x3;
	s25 =	sshrl.u32 s26, $0x3  }
0x1c: {  	v0 =	vimm.f32 $0.0e+00;
	s26 =	simm.s32 $0x5;
	[dreg:$0x4] =	wrdreg s5;
	s5 =	simm.s32 $0x0  }
.LBB2_1:
0x1d: {  	s0 =	simm.s32 $0x0;
	s8 =	rddreg [dreg:$0x5]  }
0x1e: {  	[tilespmem:s0], [sflag:$0x3] =	stream.linear.gather [hbm4b:s8+s0], $0x3C00, $0x38;
	[tilespmem:$0x1FD00] =	vst v63  }
0x1f: {  	s0 =	simm.s32 $0x0;
	s8 =	simm.s32 $0x200  }
.LBB2_2:
0x20: {  	p0 =	sne.s32 s8, $0xFE00;
	[tilespmem:s0+$0x3D70] =	vst v0  }
0x21: {  	[tilespmem:s0+$0x3D00] =	vst v0  }
0x22: {  	[tilespmem:s0+$0x3D10] =	vst v0  }
.Ltmp0:
0x23: {  	[tilespmem:s0+$0x3D20] =	vst v0;
	(pc) =	sbr.rel @p0 .LBB2_2-.Ltmp0, $4  }
0x24: {  	[tilespmem:s0+$0x3D30] =	vst v0  }
0x25: {  	[tilespmem:s0+$0x3D40] =	vst v0  }
0x26: {  	[tilespmem:s0+$0x3D50] =	vst v0  }
0x27: {  	[tilespmem:s0+$0x3D60] =	vst v0;
	s0 =	sshra.s32 s8, $0x2;
	s8 =	sadd.s32 $0x200, s8  }
0x28: {  	[tilespmem:s0+$0x3D70] =	vst v0  }
0x29: {  	[tilespmem:s0+$0x3D00] =	vst v0  }
0x2a: {  	[tilespmem:s0+$0x3D10] =	vst v0  }
0x2b: {  	[tilespmem:s0+$0x3D20] =	vst v0  }
0x2c: {  	[tilespmem:s0+$0x3D30] =	vst v0  }
0x2d: {  	[tilespmem:s0+$0x3D40] =	vst v0  }
0x2e: {  	[tilespmem:s0+$0x3D50] =	vst v0  }
0x2f: {  	[tilespmem:s0+$0x3D60] =	vst v0  }
0x30: {  	[spmem:s9] =	stream.linear.scatter [tilespmem:s21], [sflag:$0x5], $0x4000, $0x38;
	[tilespmem:$0x1FD00] =	vst v63  }
0x31: {  	_ =	swait.ge [sflag:s26], $0x4000  }
0x32: {  	[sflag:s26] =	ssyncset.done $0x0  }
0x33: {  	s13 =	rddreg [dreg:$0x9];
	[sflag:s26] =	ssyncadd.s32 $0xFFFFC000  }
0x34: {  	[spmem:s13] =	stream.linear.scatter [tilespmem:s21], [sflag:$0x5], $0x4000, $0x38;
	[tilespmem:$0x1FD00] =	vst v63  }
0x35: {  	_ =	swait.ge [sflag:s26], $0x4000  }
0x36: {  	[sflag:s26] =	ssyncset.done $0x0  }
0x37: {  	s14 =	rddreg [dreg:$0xa];
	[sflag:s26] =	ssyncadd.s32 $0xFFFFC000  }
0x38: {  	[spmem:s14] =	stream.linear.scatter [tilespmem:s21], [sflag:$0x5], $0x4000, $0x38;
	[tilespmem:$0x1FD00] =	vst v63  }
0x39: {  	_ =	swait.ge [sflag:s26], $0x4000  }
0x3a: {  	[sflag:s26] =	ssyncset.done $0x0  }
0x3b: {  	s15 =	rddreg [dreg:$0xb];
	[sflag:s26] =	ssyncadd.s32 $0xFFFFC000  }
0x3c: {  	[spmem:s15] =	stream.linear.scatter [tilespmem:s21], [sflag:$0x5], $0x4000, $0x38;
	[tilespmem:$0x1FD00] =	vst v63  }
0x3d: {  	_ =	swait.ge [sflag:s26], $0x4000  }
0x3e: {  	[sflag:s26] =	ssyncset.done $0x0  }
0x3f: {  	s16 =	rddreg [dreg:$0xc];
	[sflag:s26] =	ssyncadd.s32 $0xFFFFC000  }
0x40: {  	[spmem:s16] =	stream.linear.scatter [tilespmem:s21], [sflag:$0x5], $0x4000, $0x38;
	[tilespmem:$0x1FD00] =	vst v63  }
0x41: {  	_ =	swait.ge [sflag:s26], $0x4000  }
0x42: {  	[sflag:s26] =	ssyncset.done $0x0  }
0x43: {  	[sflag:s26] =	ssyncadd.s32 $0xFFFFC000  }
0x44: {  	_ =	swait.ge [sflag:s28], $0x3C00  }
0x45: {  	[sflag:s28] =	ssyncset.done $0x0  }
0x46: {  	[sflag:s28] =	ssyncadd.s32 $0xFFFFC400  }
0x47: {  	s0 =	simm.s32 $0x0;
	[bflag:$0x0] =	sbarrier.arrive $0xFFFF  }
0x48: {  	[tilespmem:s21], [sflag:$0x1] =	stream.indirect.gather [hbm4b:s1+s29], $0x80, s0, s29, $0xb8;
	[tilespmem:$0x1FD00] =	vst v63  }
0x49: {  	s8 =	rddreg [dreg:$0x6]  }
0x4a: {  	[tilespmem:s30], [sflag:$0x3] =	stream.linear.gather [hbm4b:s8+s0], $0x80, $0x38;
	[tilespmem:$0x1FD00] =	vst v63  }
0x4b: {  	s11 =	simm.s32 $0x100;
	s8 =	simm.s32 $0x2  }
.LBB2_4:
0x4c: {  	s12 =	sadd.s32 $0xFFFFFFFF, s8  }
0x4d: {  	s10 =	smov.u32 s11;
	p0 =	sge.u32 s12, s7  }
0x4e: {  	s11 =	sadd.s32 @!p0 $0xFFFFFF80, s11;
	s12 =	simm.s32 @!p0 $0x80;
	s13 =	simm.s32 @!p0 $0x7D00  }
0x4f: {  	[tilespmem:s13], [sflag:$0x2] =	stream.indirect.gather @!p0 [hbm4b:s1+s12], $0x80, s11, s12, $0xb8;
	[tilespmem:$0x1FD00] =	vst v63  }
0x50: {  	s14 =	sadd.s32 @!p0 $0x80, s0;
	s11 =	sand.u32 @!p0 $0xFFFFFC00, s0  }
0x51: {  	s14 =	sand.u32 @!p0 $0x380, s14;
	s11 =	sadd.s32 @!p0 s4, s11  }
0x52: {  	s11 =	sor.u32 @!p0 s11, s14  }
0x53: {  	s11 =	sshrl.u32 @!p0 s11, $0x3  }
0x54: {  	s15 =	simm.s32 @!p0 $0x3C80;
	s14 =	simm.s32 @!p0 $0x0;
	s11 =	sadd.s32 @!p0 s6, s11  }
0x55: {  	[tilespmem:s15], [sflag:$0x4] =	stream.linear.gather @!p0 [hbm4b:s11+s14], $0x80, $0x38;
	[tilespmem:$0x1FD00] =	vst v63  }
0x56: {  	_ =	swait.ge [sflag:s31], $0x4000  }
0x57: {  	[sflag:s31] =	ssyncset.done $0x0  }
0x58: {  	[sflag:s31] =	ssyncadd.s32 $0xFFFFC000  }
0x59: {  	_ =	swait.ge [sflag:s28], $0x80  }
0x5a: {  	[sflag:s28] =	ssyncset.done $0x0  }
0x5b: {  	[sflag:s28] =	ssyncadd.s32 $0xFFFFFF80  }
0x5c: {  	[spmem:s3] =	stream.indirect.scatter.add.f32 [tilespmem:s21], [sflag:$0x6], $0x80, s30, s29, $0xb8;
	[tilespmem:$0x1FD00] =	vst v63  }
0x5d: {  	_ =	swait.ge [sflag:s2], $0x4000  }
0x5e: {  	p1 =	sge.u32 s8, s7;
	[sflag:s2] =	ssyncset.done $0x0  }
0x5f: {  	s11 =	simm.s32 @!p1 $0x80;
	s14 =	simm.s32 @!p1 $0x3D00;
	[sflag:s2] =	ssyncadd.s32 $0xFFFFC000  }
0x60: {  	[tilespmem:s14], [sflag:$0x1] =	stream.indirect.gather @!p1 [hbm4b:s1+s11], $0x80, s10, s11, $0xb8;
	[tilespmem:$0x1FD00] =	vst v63  }
0x61: {  	s11 =	sadd.s32 @!p1 $0x100, s0  }
0x62: {  	s14 =	sand.u32 @!p1 $0x7FFFFC00, s11  }
0x63: {  	s11 =	sand.u32 @!p1 $0x300, s11;
	s14 =	sadd.s32 @!p1 s4, s14  }
0x64: {  	s11 =	sor.u32 @!p1 s11, s14  }
0x65: {  	s11 =	sshrl.u32 @!p1 s11, $0x3  }
0x66: {  	s16 =	simm.s32 @!p1 $0x3C00;
	s14 =	simm.s32 @!p1 $0x0;
	s11 =	sadd.s32 @!p1 s6, s11  }
0x67: {  	[tilespmem:s16], [sflag:$0x3] =	stream.linear.gather @!p1 [hbm4b:s11+s14], $0x80, $0x38;
	[tilespmem:$0x1FD00] =	vst v63  }
0x68: {  	s11 =	simm.s32 @!p0 $0x2  }
0x69: {  	_ =	swait.ge @!p0 [sflag:s11], $0x4000  }
0x6a: {  	[sflag:s11] =	ssyncset.done @!p0 $0x0  }
0x6b: {  	[sflag:s11] =	ssyncadd.s32 @!p0 $0xFFFFC000;
	s11 =	simm.s32 @!p0 $0x4  }
0x6c: {  	_ =	swait.ge @!p0 [sflag:s11], $0x80  }
0x6d: {  	[sflag:s11] =	ssyncset.done @!p0 $0x0  }
0x6e: {  	[sflag:s11] =	ssyncadd.s32 @!p0 $0xFFFFFF80;
	s11 =	simm.s32 @!p0 $0x5  }
0x6f: {  	[spmem:s3] =	stream.indirect.scatter.add.f32 @!p0 [tilespmem:s13], [sflag:$0x5], $0x80, s15, s12, $0xb8;
	[tilespmem:$0x1FD00] =	vst v63  }
0x70: {  	_ =	swait.ge @!p0 [sflag:s11], $0x4000  }
0x71: {  	s0 =	sadd.s32 $0x100, s0;
	s16 =	rddreg [dreg:$0x4]  }
0x72: {  	p1 =	sne.s32 s16, s0  }
.Ltmp1:
0x73: {  	_ = 	snop;
	(pc) =	sbr.rel @p1 .LBB2_4-.Ltmp1, $3  }
0x74: {  	_ =	sdelay $0x1  }
0x75: {  	[sflag:s11] =	ssyncset.done @!p0 $0x0  }
0x76: {  	s8 =	sadd.s32 $0x2, s8;
	[sflag:s11] =	ssyncadd.s32 @!p0 $0xFFFFC000;
	s11 =	sadd.s32 $0x100, s10  }
0x77: {  	s12 =	sadd.s32 $0xFFFFFFFF, s8  }
0x78: {  	p0 =	sge.u32 s12, s7  }
0x79: {  	s10 =	sadd.s32 @!p0 $0x80, s10;
	s12 =	simm.s32 @!p0 $0x80;
	s13 =	simm.s32 @!p0 $0x7D00  }
0x7a: {  	[tilespmem:s13], [sflag:$0x2] =	stream.indirect.gather @!p0 [hbm4b:s1+s12], $0x80, s10, s12, $0xb8;
	[tilespmem:$0x1FD00] =	vst v63  }
0x7b: {  	s14 =	sadd.s32 @!p0 $0x80, s0;
	s10 =	sand.u32 @!p0 $0x7FFFFC00, s0  }
0x7c: {  	s14 =	sand.u32 @!p0 $0x380, s14;
	s10 =	sadd.s32 @!p0 s4, s10  }
0x7d: {  	s10 =	sor.u32 @!p0 s10, s14  }
0x7e: {  	s10 =	sshrl.u32 @!p0 s10, $0x3  }
0x7f: {  	s15 =	simm.s32 @!p0 $0x3C80;
	s14 =	simm.s32 @!p0 $0x0;
	s10 =	sadd.s32 @!p0 s6, s10  }
0x80: {  	[tilespmem:s15], [sflag:$0x4] =	stream.linear.gather @!p0 [hbm4b:s10+s14], $0x80, $0x38;
	[tilespmem:$0x1FD00] =	vst v63  }
0x81: {  	_ =	swait.ge [sflag:s31], $0x4000  }
0x82: {  	[sflag:s31] =	ssyncset.done $0x0  }
0x83: {  	[sflag:s31] =	ssyncadd.s32 $0xFFFFC000  }
0x84: {  	_ =	swait.ge [sflag:s28], $0x80  }
0x85: {  	[sflag:s28] =	ssyncset.done $0x0  }
0x86: {  	[sflag:s28] =	ssyncadd.s32 $0xFFFFFF80  }
0x87: {  	[spmem:s3] =	stream.indirect.scatter.add.f32 [tilespmem:s21], [sflag:$0x6], $0x80, s30, s29, $0xb8;
	[tilespmem:$0x1FD00] =	vst v63  }
0x88: {  	p1 =	sge.u32 s8, s7;
	_ =	swait.ge [sflag:s2], $0x4000  }
0x89: {  	s8 =	simm.s32 @!p1 $0x80;
	[sflag:s2] =	ssyncset.done $0x0  }
0x8a: {  	s0 =	sadd.s32 @!p1 $0x100, s0;
	s10 =	simm.s32 @!p1 $0x3D00;
	[sflag:s2] =	ssyncadd.s32 $0xFFFFC000  }
0x8b: {  	[tilespmem:s10], [sflag:$0x1] =	stream.indirect.gather @!p1 [hbm4b:s1+s8], $0x80, s11, s8, $0xb8;
	[tilespmem:$0x1FD00] =	vst v63  }
0x8c: {  	s8 =	sand.u32 @!p1 $0x7FFFFC00, s0  }
0x8d: {  	s0 =	sand.u32 @!p1 $0x300, s0;
	s8 =	sadd.s32 @!p1 s4, s8  }
0x8e: {  	s0 =	sor.u32 @!p1 s0, s8  }
0x8f: {  	s0 =	sshrl.u32 @!p1 s0, $0x3  }
0x90: {  	s10 =	simm.s32 @!p1 $0x3C00;
	s8 =	simm.s32 @!p1 $0x0;
	s0 =	sadd.s32 @!p1 s6, s0  }
0x91: {  	[tilespmem:s10], [sflag:$0x3] =	stream.linear.gather @!p1 [hbm4b:s0+s8], $0x80, $0x38;
	[tilespmem:$0x1FD00] =	vst v63  }
0x92: {  	s0 =	simm.s32 @!p0 $0x2  }
0x93: {  	_ =	swait.ge @!p0 [sflag:s0], $0x4000  }
0x94: {  	[sflag:s0] =	ssyncset.done @!p0 $0x0  }
0x95: {  	[sflag:s0] =	ssyncadd.s32 @!p0 $0xFFFFC000;
	s0 =	simm.s32 @!p0 $0x4  }
0x96: {  	_ =	swait.ge @!p0 [sflag:s0], $0x80  }
0x97: {  	[sflag:s0] =	ssyncset.done @!p0 $0x0  }
0x98: {  	[sflag:s0] =	ssyncadd.s32 @!p0 $0xFFFFFF80;
	s0 =	simm.s32 @!p0 $0x5  }
0x99: {  	[spmem:s3] =	stream.indirect.scatter.add.f32 @!p0 [tilespmem:s13], [sflag:$0x5], $0x80, s15, s12, $0xb8;
	[tilespmem:$0x1FD00] =	vst v63  }
0x9a: {  	_ =	swait.ge @!p0 [sflag:s0], $0x4000  }
0x9b: {  	[sflag:s0] =	ssyncset.done @!p0 $0x0  }
0x9c: {  	s13 =	stileid.u32;
	[sflag:s0] =	ssyncadd.s32 @!p0 $0xFFFFC000  }
0x9d: {  	s0 =	sshll.u32 s13, $0x6;
	[bflag:$0x0] =	sbarrier.arrive $0xFFFF  }
0x9e: {  	s14 =	sshrl.u32 s9, $0x3;
	s0 =	sor.u32 $0x1C05, s0;
	s15 =	rddreg [dreg:$0x7]  }
0x9f: {  	[hbm:s15], [sflag:s0] =	dma.local [spmem:s14], $0x800  }
0xa0: {  	_ =	swait.ge [sflag:s26], $0x800  }
0xa1: {  	[sflag:s26] =	ssyncset.done $0x0  }
0xa2: {  	[sflag:s26] =	ssyncadd.s32 $0xFFFFF800  }
0xa3: {  	[hbm:s17], [sflag:s0] =	dma.local [spmem:s22], $0x800  }
0xa4: {  	_ =	swait.ge [sflag:s26], $0x800  }
0xa5: {  	[sflag:s26] =	ssyncset.done $0x0  }
0xa6: {  	[sflag:s26] =	ssyncadd.s32 $0xFFFFF800  }
0xa7: {  	[hbm:s18], [sflag:s0] =	dma.local [spmem:s23], $0x800  }
0xa8: {  	_ =	swait.ge [sflag:s26], $0x800  }
0xa9: {  	[sflag:s26] =	ssyncset.done $0x0  }
0xaa: {  	[sflag:s26] =	ssyncadd.s32 $0xFFFFF800  }
0xab: {  	[hbm:s19], [sflag:s0] =	dma.local [spmem:s24], $0x800  }
0xac: {  	_ =	swait.ge [sflag:s26], $0x800  }
0xad: {  	[sflag:s26] =	ssyncset.done $0x0  }
0xae: {  	[sflag:s26] =	ssyncadd.s32 $0xFFFFF800  }
0xaf: {  	[hbm:s20], [sflag:s0] =	dma.local [spmem:s25], $0x800  }
0xb0: {  	_ =	swait.ge [sflag:s26], $0x800  }
0xb1: {  	s5 =	sadd.s32 $0x1, s5;
	s16 =	rddreg [dreg:$0x8]  }
0xb2: {  	p0 =	sne.s32 s5, s16  }
.Ltmp2:
0xb3: {  	_ = 	snop;
	(pc) =	sbr.rel @p0 .LBB2_1-.Ltmp2, $3  }
0xb4: {  	_ =	sdelay $0x1  }
0xb5: {  	[sflag:s26] =	ssyncset.done $0x0  }
0xb6: {  	[sflag:s26] =	ssyncadd.s32 $0xFFFFF800  }
0xb7: {  	_ =	sfence.sel $0x180000  }
0xb8: {  	[bflag:$0x0] =	sbarrier.arrive $0xFFFF  }
0xb9: {  	_ =	strace $0x9000004A  }
0xba: {  	s0 =	stileid.u32;
	[bflag:$0x2] =	sbarrier.arrive $0xFFFF  }
0xbb: {  	p0 =	sne.s32 s0, $0x0;
	s0 =	rddreg [dreg:$0x3]  }
0xbc: {  	s0 =	sadd.s32 @!p0 $0x100000, s0  }
0xbd: {  	[sflag:s0] =	ssyncadd.tile.s32 @!p0 $0x1;
	_ =	shalt  }
.Lfunc_end2:
_tile_overlayer_lowered:
.L_overlay_start_2:
0xbe: {  	(tag) =	ssettag $0x2  }
0xbf: {  	s0 =	rddreg [dreg:$0x0];
	s2 =	stileid.u32  }
0xc0: {  	s1 =	rddreg [dreg:$0x1];
	p0 =	sne.s32 s2, $0x0  }
0xc1: {  	s3 =	rddreg [dreg:$0x2];
	[bflag:$0x3] =	sbarrier.arrive $0xFFFF;
	s2 =	simm.s32 @!p0 $0x1C05  }
0xc2: {  	[timem:s3], [sflag:s2] =	dma.local @!p0 [hbm:s0], s1  }
0xc3: {  	s0 =	simm.s32 @!p0 $0x5  }
0xc4: {  	_ =	swait.ge @!p0 [sflag:s0], s1  }
0xc5: {  	s1 =	ssub.s32 @!p0 $0x0, s1;
	[sflag:s0] =	ssyncset.done @!p0 $0x0  }
0xc6: {  	[sflag:s0] =	ssyncadd.s32 @!p0 s1  }
0xc7: {  	[bflag:$0x3] =	sbarrier.arrive $0xFFFF  }
0xc8: {  	_ =	shalt  }

// kernel: kernel.7.cloned.1.call-start
scs
__scs_entry_jumppad:
0x0: {  	(pc) =	sbr.rel $0x88, $3  }
0x1: {  	(tag) =	ssettag $0x0;
	lr =	simm.s32 $0x1  }
0x2: {  	[smem:$0x3F99] =	sst lr;
	_ =	strace $0xD0000000  }
0x3: {  	_ = 	snop  }
0x4: {  	_ = 	snop  }
0x5: {  	_ = 	snop  }
0x6: {  	_ = 	snop  }
0x7: {  	_ = 	snop  }
__scs_overlays_trampoline_lowered:
0x8: {  	[smem:$0x3FA8] =	sst s0  }
0x9: {  	[smem:$0x3FA9] =	sst s1  }
0xa: {  	[smem:$0x3FAA] =	sst s2  }
0xb: {  	[smem:$0x3FAB] =	sst s3  }
0xc: {  	[smem:$0x3FAC] =	sst s4  }
0xd: {  	[smem:$0x3FAD] =	sst s5  }
0xe: {  	[smem:$0x3FAE] =	sst s6  }
0xf: {  	[smem:$0x3FAF] =	sst s7  }
0x10: {  	[smem:$0x3FB0] =	sst s8  }
0x11: {  	[smem:$0x3FB1] =	sst s9;
	s0 =	simm.s32 @!p0 $0x0  }
0x12: {  	s1 =	sld [smem:$0x3F97];
	s0 =	simm.s32 @p0 $0x1  }
0x13: {  	[smem:$0x3FB2] =	sst s0;
	s0 =	simm.s32 @!p1 $0x0  }
0x14: {  	s2 =	sld [smem:$0x3F96];
	s0 =	simm.s32 @p1 $0x1  }
0x15: {  	[smem:$0x3FB3] =	sst s0;
	s0 =	simm.s32 @!p2 $0x0  }
0x16: {  	s3 =	sld [smem:$0x3FDB];
	s0 =	simm.s32 @p2 $0x1  }
0x17: {  	s4 =	simm.s32 $0x1BF5;
	[smem:$0x3FB5] =	sst s0  }
0x18: {  	s0 =	sld [smem:$0x3F98];
	_ =	swait.ge [sflag:s4], $0x0  }
0x19: {  	s7 =	sld [smem:$0x3F99]  }
0x1a: {  	s8 =	sadd.s32 $0xFFFFE003, lr  }
0x1b: {  	s9 =	sadd.s32 $0xFFFFFEF7, lr;
	s5 =	simm.s32 $0xFFFFFFFF;
	p2 =	slt.u32 s8, $0xFFFFF086  }
0x1c: {  	p1 =	slt.u32 s9, $0xF7A;
	s5 =	simm.s32 @!p2 $0x0  }
0x1d: {  	s5 =	simm.s32 @p1 $0x1;
	p0 =	seq.s32 s7, s2  }
0x1e: {  	s7 =	smul.u32 @!p0 $0xF7A, s2;
	p2 =	seq.s32 @!p0 s5, $0x0  }
0x1f: {  	s9 =	smul.u32 $0xF7A, s1;
	s8 =	simm.s32 @!p0 $0x1BF5;
	p2 =	por !p2, p0  }
0x20: {  	[sflag:s8] =	ssyncset.s32 @!p0 $0xFFFFF086;
	s6 =	sadd.s32 @!p0 s3, s7;
	s7 =	simm.s32 @!p0 $0x108  }
0x21: {  	s3 =	sadd.s32 s3, s9;
	s6 =	sadd.s32 @!p0 $0x88, s6;
	s7 =	simm.s32 @p2 $0x1082  }
0x22: {  	[simem:s7], [sflag:s8] =	dma.local @!p0 [hbm:s6], $0xF7A  }
0x23: {  	s9 =	sor.u32 $0xD0000000, s2;
	s6 =	simm.s32 $0x108;
	_ =	swait.ge @!p0 [sflag:s8], $0x0  }
0x24: {  	s3 =	sadd.s32 $0x88, s3;
	s6 =	simm.s32 @!p1 $0x1082;
	[sflag:s4] =	ssyncset.s32 $0xFFFFF086  }
0x25: {  	[simem:s6], [sflag:s4] =	dma.local [hbm:s3], $0xF7A  }
0x26: {  	[smem:$0x3F99] =	sst s1;
	(tag) =	ssettag s2;
	_ =	strace s9  }
0x27: {  	s1 =	sld [smem:$0x3FA9]  }
0x28: {  	s2 =	sld [smem:$0x3FAA]  }
0x29: {  	s4 =	sld [smem:$0x3FAC]  }
0x2a: {  	p0 =	seq.s32 s5, $0x0;
	s5 =	sld [smem:$0x3FAD]  }
0x2b: {  	s6 =	sld [smem:$0x3FAE]  }
0x2c: {  	s7 =	sld [smem:$0x3FAF]  }
0x2d: {  	s3 =	simm.s32 $0x108;
	s8 =	sld [smem:$0x3FB0]  }
0x2e: {  	s3 =	simm.s32 @!p0 $0x1082;
	s9 =	sld [smem:$0x3FB1]  }
0x2f: {  	lr =	sadd.s32 s0, s3;
	s0 =	sld [smem:$0x3FA8]  }
0x30: {  	s3 =	sld [smem:$0x3FAB]  }
0x31: {  	[smem:$0x3FB4] =	sst s10  }
0x32: {  	s10 =	sld [smem:$0x3FB2];
	_ =	sdelay $0x3  }
0x33: {  	p0 =	seq.s32 s10, $0x1;
	s10 =	sld [smem:$0x3FB4];
	_ =	sdelay $0x3  }
0x34: {  	[smem:$0x3FB4] =	sst s10  }
0x35: {  	s10 =	sld [smem:$0x3FB3];
	_ =	sdelay $0x3  }
0x36: {  	p1 =	seq.s32 s10, $0x1;
	s10 =	sld [smem:$0x3FB4];
	_ =	sdelay $0x3  }
0x37: {  	[smem:$0x3FB4] =	sst s10  }
0x38: {  	s10 =	sld [smem:$0x3FB5]  }
0x39: {  	_ = 	snop;
	(pc) =	sbr.ind lr, $3  }
0x3a: {  	_ = 	snop  }
0x3b: {  	_ = 	snop  }
0x3c: {  	p2 =	seq.s32 s10, $0x1;
	s10 =	sld [smem:$0x3FB4]  }
0x3d: {  	_ =	shalt  }
0x3e: {  	_ =	shalt  }
0x3f: {  	_ =	shalt  }
0x40: {  	_ =	shalt  }
0x41: {  	_ =	shalt  }
0x42: {  	_ =	shalt  }
0x43: {  	_ =	shalt  }
0x44: {  	_ =	shalt  }
0x45: {  	_ =	shalt  }
0x46: {  	_ =	shalt  }
0x47: {  	_ =	shalt  }
0x48: {  	_ =	shalt  }
0x49: {  	_ =	shalt  }
0x4a: {  	_ =	shalt  }
0x4b: {  	_ =	shalt  }
0x4c: {  	_ =	shalt  }
0x4d: {  	_ =	shalt  }
0x4e: {  	_ =	shalt  }
0x4f: {  	_ =	shalt  }
0x50: {  	_ =	shalt  }
0x51: {  	_ =	shalt  }
0x52: {  	_ =	shalt  }
0x53: {  	_ =	shalt  }
0x54: {  	_ =	shalt  }
0x55: {  	_ =	shalt  }
0x56: {  	_ =	shalt  }
0x57: {  	_ =	shalt  }
0x58: {  	_ =	shalt  }
0x59: {  	_ =	shalt  }
0x5a: {  	_ =	shalt  }
0x5b: {  	_ =	shalt  }
0x5c: {  	_ =	shalt  }
0x5d: {  	_ =	shalt  }
0x5e: {  	_ =	shalt  }
0x5f: {  	_ =	shalt  }
0x60: {  	_ =	shalt  }
0x61: {  	_ =	shalt  }
0x62: {  	_ =	shalt  }
0x63: {  	_ =	shalt  }
0x64: {  	_ =	shalt  }
0x65: {  	_ =	shalt  }
0x66: {  	_ =	shalt  }
0x67: {  	_ =	shalt  }
0x68: {  	_ =	shalt  }
0x69: {  	_ =	shalt  }
0x6a: {  	_ =	shalt  }
0x6b: {  	_ =	shalt  }
0x6c: {  	_ =	shalt  }
0x6d: {  	_ =	shalt  }
0x6e: {  	_ =	shalt  }
0x6f: {  	_ =	shalt  }
0x70: {  	_ =	shalt  }
0x71: {  	_ =	shalt  }
0x72: {  	_ =	shalt  }
0x73: {  	_ =	shalt  }
0x74: {  	_ =	shalt  }
0x75: {  	_ =	shalt  }
0x76: {  	_ =	shalt  }
0x77: {  	_ =	shalt  }
0x78: {  	_ =	shalt  }
0x79: {  	_ =	shalt  }
0x7a: {  	_ =	shalt  }
0x7b: {  	_ =	shalt  }
0x7c: {  	_ =	shalt  }
0x7d: {  	_ =	shalt  }
0x7e: {  	_ =	shalt  }
0x7f: {  	_ =	shalt  }
0x80: {  	_ =	shalt  }
0x81: {  	_ =	shalt  }
0x82: {  	_ =	shalt  }
0x83: {  	_ =	shalt  }
0x84: {  	_ =	shalt  }
0x85: {  	_ =	shalt  }
0x86: {  	_ =	shalt  }
0x87: {  	_ =	shalt  }
.Lfunc_end0:
.L_simem_size_0:
called_computation_lowered:
.L_overlay_start_0:
0x88: {  	s2 =	sld [smem:$0x3FD9]  }
0x89: {  	s3 =	sld [smem:$0x3FFE];
	_ =	sdelay $0x1  }
0x8a: {  	s1 =	srdreg.scid  }
0x8b: {  	s0 =	sand.u32 $0x1, s1  }
0x8c: {  	s17 =	sshll.u32 s0, $0xA;
	s2 =	sadd.s32 s3, s2  }
0x8d: {  	s2 =	sadd.s32 s2, s17  }
0x8e: {  	[smem:$0x3FC0] =	sst s2  }
0x8f: {  	_ = 	snop  }
0x90: {  	s2 =	sld [smem:$0x3FD0];
	(tm) =	ssettm $0x1  }
0x91: {  	s18 =	sld [smem:$0x3FFB];
	_ =	sdelay $0x3  }
0x92: {  	_ =	strace s18  }
0x93: {  	s3 =	sld [smem:$0x3FFC];
	_ =	sdelay $0x3  }
0x94: {  	_ =	strace s3  }
0x95: {  	s3 =	sld [smem:$0x3FFD];
	_ =	sdelay $0x3  }
0x96: {  	_ =	strace s3  }
0x97: {  	_ =	strace $0x8FFFFFFF  }
0x98: {  	s19 =	sld [smem:$0x3FDB];
	_ =	sdelay $0x1  }
0x99: {  	s4 =	simm.s32 $_scs_section_size  }
0x9a: {  	s5 =	simm.s32 $_size__tile_overlayer_lowered;
	s6 =	simm.s32 $_tile_overlayer_lowered  }
0x9b: {  	s22 =	simm.s32 $0x1BFF;
	s21 =	sshll.u32 s6, $0x1;
	s3 =	sadd.s32 s4, s19  }
0x9c: {  	s7 =	simm.s32 $0x0;
	s20 =	sshll.u32 s5, $0x1;
	s5 =	sadd.s32 s21, s3  }
0x9d: {  	[timem:s7], [sflag:s22] =	dma.local [hbm:s5], s20  }
0x9e: {  	_ =	swait.ge [sflag:s22], s20  }
0x9f: {  	s4 =	ssub.s32 $0x0, s20;
	[sflag:s22] =	ssyncset.done $0x0  }
0xa0: {  	[sflag:s22] =	ssyncadd.s32 s4;
	_ =	sdelay $0x1  }
0xa1: {  	s23 =	simm.s32 $0x1B8B  }
0xa2: {  	_ =	swait.ge [sflag:s23], $0x1  }
0xa3: {  	[sflag:s23] =	ssyncset.done $0x0  }
0xa4: {  	s25 =	simm.s32 $0x1B8E;
	s24 =	sld [smem:$0x3FFE];
	[sflag:s23] =	ssyncadd.s32 $0xFFFFFFFF  }
0xa5: {  	s26 =	simm.s32 $execute0_lowered;
	[smem:$0x3FD2] =	sst s25  }
0xa6: {  	s5 =	sshll.u32 s26, $0x1;
	_ =	strace $0x80000046;
	[dreg:$0x1] =	wrdreg $0xFFFFFFFF  }
0xa7: {  	s28 =	simm.s32 $_size_execute0_lowered;
	s3 =	sadd.s32 s3, s5;
	[dreg:$0x0] =	wrdreg $0x0  }
0xa8: {  	s5 =	sshll.u32 s28, $0x1;
	[dreg:$0x2] =	wrdreg s3  }
0xa9: {  	[dreg:$0x3] =	wrdreg s5  }
0xaa: {  	[dreg:$0x4] =	wrdreg $0xC0  }
0xab: {  	_ =	task [dreg:s7], $0x5FFFF  }
0xac: {  	[dreg:$0x1] =	wrdreg $0xFFFFFFFF  }
0xad: {  	[dreg:$0x0] =	wrdreg $0x60  }
0xae: {  	[dreg:$0x2] =	wrdreg s2  }
0xaf: {  	[dreg:$0x3] =	wrdreg s24  }
0xb0: {  	[dreg:$0x4] =	wrdreg $0xBD000  }
0xb1: {  	[dreg:$0x5] =	wrdreg $0x9  }
0xb2: {  	_ =	task.clear_ibuf [dreg:s7], $0x6FFFF;
	_ =	strace $0x90000046  }
0xb3: {  	s29 =	simm.s32 $0x9;
	_ =	strace $0x80000048  }
0xb4: {  	_ =	swait.ge [sflag:s29], $0x1  }
0xb5: {  	[sflag:s29] =	ssyncadd.s32 $0xFFFFFFFF  }
0xb6: {  	_ =	strace $0x90000048  }
0xb7: {  	_ =	sfence  }
0xb8: {  	s30 =	sld [smem:$0x0];
	_ =	sdelay $0x2  }
0xb9: {  	s31 =	sshll.u32 s1, $0xD;
	s1 =	sshrl.u32 s1, $0x2  }
0xba: {  	s3 =	sand.u32 $0x4000, s31;
	s1 =	sadd.s32 s1, s30  }
0xbb: {  	s0 =	sor.u32 s3, s0;
	s1 =	sshll.u32 s1, $0x11  }
0xbc: {  	s0 =	sor.u32 s1, s0  }
0xbd: {  	s0 =	sadd.s32 $0x8F2B, s0  }
0xbe: {  	[sflag:s0] =	ssyncadd.remote.s32 $0x1  }
0xbf: {  	_ =	sfence.sel $0xFFFF  }
0xc0: {  	[dreg:$0x0] =	wrdreg $0xFFFFFFFF;
	(pc) =	sbr.abs _section_cstart, $3  }
0xc1: {  	[dreg:$0x1] =	wrdreg $0xFFFFFFFF  }
0xc2: {  	_ =	task.clear_ibuf [dreg:s7], $0x2FFFF;
	_ =	strace $0x9FFFFFFF  }
0xc3: {  	(tm) =	ssettm $0x7FFFFFFF  }
tec
execute0_lowered:
.L_overlay_start_1:
0x0: {  	(tag) =	ssettag $0x1  }
0x1: {  	s1 =	rddreg [dreg:$0x0]  }
0x2: {  	s0 =	srdreg.scid;
	s5 =	rddreg [dreg:$0x1]  }
0x3: {  	s12 =	stileid.u32;
	s3 =	rddreg [dreg:$0x2]  }
0x4: {  	s22 =	simm.s32 $0x0;
	s28 =	simm.s32 $0x3;
	s29 =	simm.s32 $0x80  }
0x5: {  	s30 =	simm.s32 $0x3C00;
	s31 =	simm.s32 $0x1;
	s0 =	sand.u32 $0x1, s0  }
0x6: {  	s2 =	sshll.u32 s12, $0x1;
	[smem:$0x7FF] =	sst s22;
	s9 =	smul.u32 $0x50000, s12  }
0x7: {  	s6 =	sadd.s32 $0x11C00, s5;
	s18 =	smul.u32 $0x14000, s12;
	s2 =	sor.u32 s0, s2  }
0x8: {  	_ =	strace $0x80000047;
	s7 =	ssub.s32 $0x2, s0;
	s10 =	smul.u32 $0x140000, s0  }
0x9: {  	p0 =	seq.s32 s0, $0x0;
	s4 =	smul.u32 $0x3C00, s2;
	s11 =	sshrl.u32 s7, $0x1  }
0xa: {  	s24 =	sshrl.u32 s9, $0x2;
	s26 =	sadd.s32 $0x4000, s18;
	s16 =	sadd.s32 $0x8000, s18  }
0xb: {  	s22 =	sadd.s32 $0xC000, s18;
	s21 =	sadd.s32 $0x10000, s18;
	s11 =	ssub.s32 s7, s11  }
0xc: {  	s7 =	simm.s32 $0x78;
	s12 =	sadd.s32 s10, s18;
	s9 =	sadd.s32 s24, s3  }
0xd: {  	s20 =	sadd.s32 s10, s16;
	s19 =	sadd.s32 s10, s22;
	s23 =	sshrl.u32 s4, $0x3  }
0xe: {  	s7 =	simm.s32 @!p0 $0x26;
	s25 =	sshrl.u32 s12, $0x3;
	s12 =	sadd.s32 s10, s26  }
0xf: {  	s13 =	sadd.s32 $0x8000, s9;
	s14 =	sadd.s32 $0xC000, s9;
	s15 =	sadd.s32 $0x10000, s9  }
0x10: {  	s10 =	sadd.s32 s10, s21;
	s8 =	sadd.s32 s23, s5;
	[dreg:$0xa] =	wrdreg s13  }
0x11: {  	s5 =	sadd.s32 $0x20C00, s5;
	s2 =	sadd.s32 s6, s23;
	[dreg:$0xb] =	wrdreg s14  }
0x12: {  	[dreg:$0xc] =	wrdreg s15;
	s23 =	sshrl.u32 s19, $0x3;
	s10 =	sshrl.u32 s10, $0x3  }
0x13: {  	s24 =	sshll.u32 s7, $0x7;
	s8 =	sadd.s32 $0x2C00, s8;
	[dreg:$0x6] =	wrdreg s2  }
0x14: {  	s0 =	sadd.s32 s5, s25;
	s2 =	sshrl.u32 s12, $0x3;
	[dreg:$0x5] =	wrdreg s8  }
0x15: {  	s19 =	sadd.s32 s5, s23;
	s25 =	sadd.s32 s22, s3;
	[dreg:$0x7] =	wrdreg s0  }
0x16: {  	s8 =	smax.u32 s11, $0x1;
	s11 =	sadd.s32 $0x4000, s9;
	s17 =	sadd.s32 s5, s2  }
0x17: {  	s0 =	sadd.s32 s26, s3;
	s2 =	sadd.s32 s16, s3;
	[dreg:$0x8] =	wrdreg s8  }
0x18: {  	s26 =	sadd.s32 s21, s3;
	s21 =	simm.s32 $0x3D00;
	[dreg:$0x9] =	wrdreg s11  }
0x19: {  	s8 =	sshrl.u32 s20, $0x3;
	s20 =	sadd.s32 s5, s10;
	s22 =	sshrl.u32 s0, $0x3  }
0x1a: {  	s23 =	sshrl.u32 s2, $0x3;
	s2 =	simm.s32 $0x6;
	s18 =	sadd.s32 s5, s8  }
0x1b: {  	s5 =	sadd.s32 $0xFFFFFF00, s24;
	s24 =	sshrl.u32 s25, $0x3;
	s25 =	sshrl.u32 s26, $0x3  }
0x1c: {  	v0 =	vimm.f32 $0.0e+00;
	s26 =	simm.s32 $0x5;
	[dreg:$0x4] =	wrdreg s5;
	s5 =	simm.s32 $0x0  }
.LBB2_1:
0x1d: {  	s0 =	simm.s32 $0x0;
	s8 =	rddreg [dreg:$0x5]  }
0x1e: {  	[tilespmem:s0], [sflag:$0x3] =	stream.linear.gather [hbm4b:s8+s0], $0x3C00, $0x38;
	[tilespmem:$0x1FD00] =	vst v63  }
0x1f: {  	s0 =	simm.s32 $0x0;
	s8 =	simm.s32 $0x200  }
.LBB2_2:
0x20: {  	p0 =	sne.s32 s8, $0xFE00;
	[tilespmem:s0+$0x3D70] =	vst v0  }
0x21: {  	[tilespmem:s0+$0x3D00] =	vst v0  }
0x22: {  	[tilespmem:s0+$0x3D10] =	vst v0  }
.Ltmp0:
0x23: {  	[tilespmem:s0+$0x3D20] =	vst v0;
	(pc) =	sbr.rel @p0 .LBB2_2-.Ltmp0, $4  }
0x24: {  	[tilespmem:s0+$0x3D30] =	vst v0  }
0x25: {  	[tilespmem:s0+$0x3D40] =	vst v0  }
0x26: {  	[tilespmem:s0+$0x3D50] =	vst v0  }
0x27: {  	[tilespmem:s0+$0x3D60] =	vst v0;
	s0 =	sshra.s32 s8, $0x2;
	s8 =	sadd.s32 $0x200, s8  }
0x28: {  	[tilespmem:s0+$0x3D70] =	vst v0  }
0x29: {  	[tilespmem:s0+$0x3D00] =	vst v0  }
0x2a: {  	[tilespmem:s0+$0x3D10] =	vst v0  }
0x2b: {  	[tilespmem:s0+$0x3D20] =	vst v0  }
0x2c: {  	[tilespmem:s0+$0x3D30] =	vst v0  }
0x2d: {  	[tilespmem:s0+$0x3D40] =	vst v0  }
0x2e: {  	[tilespmem:s0+$0x3D50] =	vst v0  }
0x2f: {  	[tilespmem:s0+$0x3D60] =	vst v0  }
0x30: {  	[spmem:s9] =	stream.linear.scatter [tilespmem:s21], [sflag:$0x5], $0x4000, $0x38;
	[tilespmem:$0x1FD00] =	vst v63  }
0x31: {  	_ =	swait.ge [sflag:s26], $0x4000  }
0x32: {  	[sflag:s26] =	ssyncset.done $0x0  }
0x33: {  	s13 =	rddreg [dreg:$0x9];
	[sflag:s26] =	ssyncadd.s32 $0xFFFFC000  }
0x34: {  	[spmem:s13] =	stream.linear.scatter [tilespmem:s21], [sflag:$0x5], $0x4000, $0x38;
	[tilespmem:$0x1FD00] =	vst v63  }
0x35: {  	_ =	swait.ge [sflag:s26], $0x4000  }
0x36: {  	[sflag:s26] =	ssyncset.done $0x0  }
0x37: {  	s14 =	rddreg [dreg:$0xa];
	[sflag:s26] =	ssyncadd.s32 $0xFFFFC000  }
0x38: {  	[spmem:s14] =	stream.linear.scatter [tilespmem:s21], [sflag:$0x5], $0x4000, $0x38;
	[tilespmem:$0x1FD00] =	vst v63  }
0x39: {  	_ =	swait.ge [sflag:s26], $0x4000  }
0x3a: {  	[sflag:s26] =	ssyncset.done $0x0  }
0x3b: {  	s15 =	rddreg [dreg:$0xb];
	[sflag:s26] =	ssyncadd.s32 $0xFFFFC000  }
0x3c: {  	[spmem:s15] =	stream.linear.scatter [tilespmem:s21], [sflag:$0x5], $0x4000, $0x38;
	[tilespmem:$0x1FD00] =	vst v63  }
0x3d: {  	_ =	swait.ge [sflag:s26], $0x4000  }
0x3e: {  	[sflag:s26] =	ssyncset.done $0x0  }
0x3f: {  	s16 =	rddreg [dreg:$0xc];
	[sflag:s26] =	ssyncadd.s32 $0xFFFFC000  }
0x40: {  	[spmem:s16] =	stream.linear.scatter [tilespmem:s21], [sflag:$0x5], $0x4000, $0x38;
	[tilespmem:$0x1FD00] =	vst v63  }
0x41: {  	_ =	swait.ge [sflag:s26], $0x4000  }
0x42: {  	[sflag:s26] =	ssyncset.done $0x0  }
0x43: {  	[sflag:s26] =	ssyncadd.s32 $0xFFFFC000  }
0x44: {  	_ =	swait.ge [sflag:s28], $0x3C00  }
0x45: {  	[sflag:s28] =	ssyncset.done $0x0  }
0x46: {  	[sflag:s28] =	ssyncadd.s32 $0xFFFFC400  }
0x47: {  	s0 =	simm.s32 $0x0;
	[bflag:$0x0] =	sbarrier.arrive $0xFFFF  }
0x48: {  	[tilespmem:s21], [sflag:$0x1] =	stream.indirect.gather [hbm4b:s1+s29], $0x80, s0, s29, $0xb8;
	[tilespmem:$0x1FD00] =	vst v63  }
0x49: {  	s8 =	rddreg [dreg:$0x6]  }
0x4a: {  	[tilespmem:s30], [sflag:$0x3] =	stream.linear.gather [hbm4b:s8+s0], $0x80, $0x38;
	[tilespmem:$0x1FD00] =	vst v63  }
0x4b: {  	s11 =	simm.s32 $0x100;
	s8 =	simm.s32 $0x2  }
.LBB2_4:
0x4c: {  	s12 =	sadd.s32 $0xFFFFFFFF, s8  }
0x4d: {  	s10 =	smov.u32 s11;
	p0 =	sge.u32 s12, s7  }
0x4e: {  	s11 =	sadd.s32 @!p0 $0xFFFFFF80, s11;
	s12 =	simm.s32 @!p0 $0x80;
	s13 =	simm.s32 @!p0 $0x7D00  }
0x4f: {  	[tilespmem:s13], [sflag:$0x2] =	stream.indirect.gather @!p0 [hbm4b:s1+s12], $0x80, s11, s12, $0xb8;
	[tilespmem:$0x1FD00] =	vst v63  }
0x50: {  	s14 =	sadd.s32 @!p0 $0x80, s0;
	s11 =	sand.u32 @!p0 $0xFFFFFC00, s0  }
0x51: {  	s14 =	sand.u32 @!p0 $0x380, s14;
	s11 =	sadd.s32 @!p0 s4, s11  }
0x52: {  	s11 =	sor.u32 @!p0 s11, s14  }
0x53: {  	s11 =	sshrl.u32 @!p0 s11, $0x3  }
0x54: {  	s15 =	simm.s32 @!p0 $0x3C80;
	s14 =	simm.s32 @!p0 $0x0;
	s11 =	sadd.s32 @!p0 s6, s11  }
0x55: {  	[tilespmem:s15], [sflag:$0x4] =	stream.linear.gather @!p0 [hbm4b:s11+s14], $0x80, $0x38;
	[tilespmem:$0x1FD00] =	vst v63  }
0x56: {  	_ =	swait.ge [sflag:s31], $0x4000  }
0x57: {  	[sflag:s31] =	ssyncset.done $0x0  }
0x58: {  	[sflag:s31] =	ssyncadd.s32 $0xFFFFC000  }
0x59: {  	_ =	swait.ge [sflag:s28], $0x80  }
0x5a: {  	[sflag:s28] =	ssyncset.done $0x0  }
0x5b: {  	[sflag:s28] =	ssyncadd.s32 $0xFFFFFF80  }
0x5c: {  	[spmem:s3] =	stream.indirect.scatter.add.f32 [tilespmem:s21], [sflag:$0x6], $0x80, s30, s29, $0xb8;
	[tilespmem:$0x1FD00] =	vst v63  }
0x5d: {  	_ =	swait.ge [sflag:s2], $0x4000  }
0x5e: {  	p1 =	sge.u32 s8, s7;
	[sflag:s2] =	ssyncset.done $0x0  }
0x5f: {  	s11 =	simm.s32 @!p1 $0x80;
	s14 =	simm.s32 @!p1 $0x3D00;
	[sflag:s2] =	ssyncadd.s32 $0xFFFFC000  }
0x60: {  	[tilespmem:s14], [sflag:$0x1] =	stream.indirect.gather @!p1 [hbm4b:s1+s11], $0x80, s10, s11, $0xb8;
	[tilespmem:$0x1FD00] =	vst v63  }
0x61: {  	s11 =	sadd.s32 @!p1 $0x100, s0  }
0x62: {  	s14 =	sand.u32 @!p1 $0x7FFFFC00, s11  }
0x63: {  	s11 =	sand.u32 @!p1 $0x300, s11;
	s14 =	sadd.s32 @!p1 s4, s14  }
0x64: {  	s11 =	sor.u32 @!p1 s11, s14  }
0x65: {  	s11 =	sshrl.u32 @!p1 s11, $0x3  }
0x66: {  	s16 =	simm.s32 @!p1 $0x3C00;
	s14 =	simm.s32 @!p1 $0x0;
	s11 =	sadd.s32 @!p1 s6, s11  }
0x67: {  	[tilespmem:s16], [sflag:$0x3] =	stream.linear.gather @!p1 [hbm4b:s11+s14], $0x80, $0x38;
	[tilespmem:$0x1FD00] =	vst v63  }
0x68: {  	s11 =	simm.s32 @!p0 $0x2  }
0x69: {  	_ =	swait.ge @!p0 [sflag:s11], $0x4000  }
0x6a: {  	[sflag:s11] =	ssyncset.done @!p0 $0x0  }
0x6b: {  	[sflag:s11] =	ssyncadd.s32 @!p0 $0xFFFFC000;
	s11 =	simm.s32 @!p0 $0x4  }
0x6c: {  	_ =	swait.ge @!p0 [sflag:s11], $0x80  }
0x6d: {  	[sflag:s11] =	ssyncset.done @!p0 $0x0  }
0x6e: {  	[sflag:s11] =	ssyncadd.s32 @!p0 $0xFFFFFF80;
	s11 =	simm.s32 @!p0 $0x5  }
0x6f: {  	[spmem:s3] =	stream.indirect.scatter.add.f32 @!p0 [tilespmem:s13], [sflag:$0x5], $0x80, s15, s12, $0xb8;
	[tilespmem:$0x1FD00] =	vst v63  }
0x70: {  	_ =	swait.ge @!p0 [sflag:s11], $0x4000  }
0x71: {  	s0 =	sadd.s32 $0x100, s0;
	s16 =	rddreg [dreg:$0x4]  }
0x72: {  	p1 =	sne.s32 s16, s0  }
.Ltmp1:
0x73: {  	_ = 	snop;
	(pc) =	sbr.rel @p1 .LBB2_4-.Ltmp1, $3  }
0x74: {  	_ =	sdelay $0x1  }
0x75: {  	[sflag:s11] =	ssyncset.done @!p0 $0x0  }
0x76: {  	s8 =	sadd.s32 $0x2, s8;
	[sflag:s11] =	ssyncadd.s32 @!p0 $0xFFFFC000;
	s11 =	sadd.s32 $0x100, s10  }
0x77: {  	s12 =	sadd.s32 $0xFFFFFFFF, s8  }
0x78: {  	p0 =	sge.u32 s12, s7  }
0x79: {  	s10 =	sadd.s32 @!p0 $0x80, s10;
	s12 =	simm.s32 @!p0 $0x80;
	s13 =	simm.s32 @!p0 $0x7D00  }
0x7a: {  	[tilespmem:s13], [sflag:$0x2] =	stream.indirect.gather @!p0 [hbm4b:s1+s12], $0x80, s10, s12, $0xb8;
	[tilespmem:$0x1FD00] =	vst v63  }
0x7b: {  	s14 =	sadd.s32 @!p0 $0x80, s0;
	s10 =	sand.u32 @!p0 $0x7FFFFC00, s0  }
0x7c: {  	s14 =	sand.u32 @!p0 $0x380, s14;
	s10 =	sadd.s32 @!p0 s4, s10  }
0x7d: {  	s10 =	sor.u32 @!p0 s10, s14  }
0x7e: {  	s10 =	sshrl.u32 @!p0 s10, $0x3  }
0x7f: {  	s15 =	simm.s32 @!p0 $0x3C80;
	s14 =	simm.s32 @!p0 $0x0;
	s10 =	sadd.s32 @!p0 s6, s10  }
0x80: {  	[tilespmem:s15], [sflag:$0x4] =	stream.linear.gather @!p0 [hbm4b:s10+s14], $0x80, $0x38;
	[tilespmem:$0x1FD00] =	vst v63  }
0x81: {  	_ =	swait.ge [sflag:s31], $0x4000  }
0x82: {  	[sflag:s31] =	ssyncset.done $0x0  }
0x83: {  	[sflag:s31] =	ssyncadd.s32 $0xFFFFC000  }
0x84: {  	_ =	swait.ge [sflag:s28], $0x80  }
0x85: {  	[sflag:s28] =	ssyncset.done $0x0  }
0x86: {  	[sflag:s28] =	ssyncadd.s32 $0xFFFFFF80  }
0x87: {  	[spmem:s3] =	stream.indirect.scatter.add.f32 [tilespmem:s21], [sflag:$0x6], $0x80, s30, s29, $0xb8;
	[tilespmem:$0x1FD00] =	vst v63  }
0x88: {  	p1 =	sge.u32 s8, s7;
	_ =	swait.ge [sflag:s2], $0x4000  }
0x89: {  	s8 =	simm.s32 @!p1 $0x80;
	[sflag:s2] =	ssyncset.done $0x0  }
0x8a: {  	s0 =	sadd.s32 @!p1 $0x100, s0;
	s10 =	simm.s32 @!p1 $0x3D00;
	[sflag:s2] =	ssyncadd.s32 $0xFFFFC000  }
0x8b: {  	[tilespmem:s10], [sflag:$0x1] =	stream.indirect.gather @!p1 [hbm4b:s1+s8], $0x80, s11, s8, $0xb8;
	[tilespmem:$0x1FD00] =	vst v63  }
0x8c: {  	s8 =	sand.u32 @!p1 $0x7FFFFC00, s0  }
0x8d: {  	s0 =	sand.u32 @!p1 $0x300, s0;
	s8 =	sadd.s32 @!p1 s4, s8  }
0x8e: {  	s0 =	sor.u32 @!p1 s0, s8  }
0x8f: {  	s0 =	sshrl.u32 @!p1 s0, $0x3  }
0x90: {  	s10 =	simm.s32 @!p1 $0x3C00;
	s8 =	simm.s32 @!p1 $0x0;
	s0 =	sadd.s32 @!p1 s6, s0  }
0x91: {  	[tilespmem:s10], [sflag:$0x3] =	stream.linear.gather @!p1 [hbm4b:s0+s8], $0x80, $0x38;
	[tilespmem:$0x1FD00] =	vst v63  }
0x92: {  	s0 =	simm.s32 @!p0 $0x2  }
0x93: {  	_ =	swait.ge @!p0 [sflag:s0], $0x4000  }
0x94: {  	[sflag:s0] =	ssyncset.done @!p0 $0x0  }
0x95: {  	[sflag:s0] =	ssyncadd.s32 @!p0 $0xFFFFC000;
	s0 =	simm.s32 @!p0 $0x4  }
0x96: {  	_ =	swait.ge @!p0 [sflag:s0], $0x80  }
0x97: {  	[sflag:s0] =	ssyncset.done @!p0 $0x0  }
0x98: {  	[sflag:s0] =	ssyncadd.s32 @!p0 $0xFFFFFF80;
	s0 =	simm.s32 @!p0 $0x5  }
0x99: {  	[spmem:s3] =	stream.indirect.scatter.add.f32 @!p0 [tilespmem:s13], [sflag:$0x5], $0x80, s15, s12, $0xb8;
	[tilespmem:$0x1FD00] =	vst v63  }
0x9a: {  	_ =	swait.ge @!p0 [sflag:s0], $0x4000  }
0x9b: {  	[sflag:s0] =	ssyncset.done @!p0 $0x0  }
0x9c: {  	s13 =	stileid.u32;
	[sflag:s0] =	ssyncadd.s32 @!p0 $0xFFFFC000  }
0x9d: {  	s0 =	sshll.u32 s13, $0x6;
	[bflag:$0x0] =	sbarrier.arrive $0xFFFF  }
0x9e: {  	s14 =	sshrl.u32 s9, $0x3;
	s0 =	sor.u32 $0x1C05, s0;
	s15 =	rddreg [dreg:$0x7]  }
0x9f: {  	[hbm:s15], [sflag:s0] =	dma.local [spmem:s14], $0x800  }
0xa0: {  	_ =	swait.ge [sflag:s26], $0x800  }
0xa1: {  	[sflag:s26] =	ssyncset.done $0x0  }
0xa2: {  	[sflag:s26] =	ssyncadd.s32 $0xFFFFF800  }
0xa3: {  	[hbm:s17], [sflag:s0] =	dma.local [spmem:s22], $0x800  }
0xa4: {  	_ =	swait.ge [sflag:s26], $0x800  }
0xa5: {  	[sflag:s26] =	ssyncset.done $0x0  }
0xa6: {  	[sflag:s26] =	ssyncadd.s32 $0xFFFFF800  }
0xa7: {  	[hbm:s18], [sflag:s0] =	dma.local [spmem:s23], $0x800  }
0xa8: {  	_ =	swait.ge [sflag:s26], $0x800  }
0xa9: {  	[sflag:s26] =	ssyncset.done $0x0  }
0xaa: {  	[sflag:s26] =	ssyncadd.s32 $0xFFFFF800  }
0xab: {  	[hbm:s19], [sflag:s0] =	dma.local [spmem:s24], $0x800  }
0xac: {  	_ =	swait.ge [sflag:s26], $0x800  }
0xad: {  	[sflag:s26] =	ssyncset.done $0x0  }
0xae: {  	[sflag:s26] =	ssyncadd.s32 $0xFFFFF800  }
0xaf: {  	[hbm:s20], [sflag:s0] =	dma.local [spmem:s25], $0x800  }
0xb0: {  	_ =	swait.ge [sflag:s26], $0x800  }
0xb1: {  	s5 =	sadd.s32 $0x1, s5;
	s16 =	rddreg [dreg:$0x8]  }
0xb2: {  	p0 =	sne.s32 s5, s16  }
.Ltmp2:
0xb3: {  	_ = 	snop;
	(pc) =	sbr.rel @p0 .LBB2_1-.Ltmp2, $3  }
0xb4: {  	_ =	sdelay $0x1  }
0xb5: {  	[sflag:s26] =	ssyncset.done $0x0  }
0xb6: {  	[sflag:s26] =	ssyncadd.s32 $0xFFFFF800  }
0xb7: {  	_ =	sfence.sel $0x180000  }
0xb8: {  	[bflag:$0x0] =	sbarrier.arrive $0xFFFF  }
0xb9: {  	_ =	strace $0x90000047  }
0xba: {  	s0 =	stileid.u32;
	[bflag:$0x2] =	sbarrier.arrive $0xFFFF  }
0xbb: {  	p0 =	sne.s32 s0, $0x0;
	s0 =	rddreg [dreg:$0x3]  }
0xbc: {  	s0 =	sadd.s32 @!p0 $0x100000, s0  }
0xbd: {  	[sflag:s0] =	ssyncadd.tile.s32 @!p0 $0x1;
	_ =	shalt  }
.Lfunc_end2:
_tile_overlayer_lowered:
.L_overlay_start_2:
0xbe: {  	(tag) =	ssettag $0x2  }
0xbf: {  	s0 =	rddreg [dreg:$0x0];
	s2 =	stileid.u32  }
0xc0: {  	s1 =	rddreg [dreg:$0x1];
	p0 =	sne.s32 s2, $0x0  }
0xc1: {  	s3 =	rddreg [dreg:$0x2];
	[bflag:$0x3] =	sbarrier.arrive $0xFFFF;
	s2 =	simm.s32 @!p0 $0x1C05  }
0xc2: {  	[timem:s3], [sflag:s2] =	dma.local @!p0 [hbm:s0], s1  }
0xc3: {  	s0 =	simm.s32 @!p0 $0x5  }
0xc4: {  	_ =	swait.ge @!p0 [sflag:s0], s1  }
0xc5: {  	s1 =	ssub.s32 @!p0 $0x0, s1;
	[sflag:s0] =	ssyncset.done @!p0 $0x0  }
0xc6: {  	[sflag:s0] =	ssyncadd.s32 @!p0 s1  }
0xc7: {  	[bflag:$0x3] =	sbarrier.arrive $0xFFFF  }
0xc8: {  	_ =	shalt  }

</sc_bundles>
